<compile_context>
chip_gen: v7x
topology: tpu7x:2x2x1
jax: 0.10.2.dev20260603
libtpu: 0.0.44.dev20260713+nightly
codegen_flags: <defaults>
</compile_context>

<pallas_src>
import functools

import jax
import jax.numpy as jnp
from jax import lax
from jax.experimental import pallas as pl
from jax.experimental.pallas import tpu as pltpu
from jax.experimental.pallas import tpu_sc as plsc

D = 100
DP = 128
T = 7
OUT = 50

_NC = 2
_NS = 16
_NW = _NC * _NS
_CHUNK = 128
_TBLK = 16384


def _tr_body(xT_ref, eye_ref, o_ref):
    o_ref[:, :D] = lax.dot_general(
        xT_ref[...], eye_ref[...], (((0,), (0,)), ((), ())),
        preferred_element_type=jnp.float32)
    o_ref[:, D:] = jnp.zeros((o_ref.shape[0], DP - D), jnp.float32)


def _densify(word_table_T, V: int):
    eye = jnp.eye(D, dtype=jnp.float32)
    return pl.pallas_call(
        _tr_body,
        grid=((V + _TBLK - 1) // _TBLK,),
        in_specs=[
            pl.BlockSpec((D, _TBLK), lambda i: (0, i)),
            pl.BlockSpec((D, D), lambda i: (0, 0)),
        ],
        out_specs=pl.BlockSpec((_TBLK, DP), lambda i: (i, 0)),
        out_shape=jax.ShapeDtypeStruct((V, DP), jnp.float32),
    )(word_table_T, eye)


def _make_sc_gather(BT: int, V: int):
    per_w = BT // _NW
    nch = per_w // _CHUNK
    assert per_w * _NW == BT and nch * _CHUNK == per_w and nch % 2 == 0

    mesh = plsc.VectorSubcoreMesh(core_axis_name="c", subcore_axis_name="s",
                                  num_cores=_NC, num_subcores=_NS)

    @functools.partial(
        pl.kernel,
        mesh=mesh,
        out_type=jax.ShapeDtypeStruct((BT, DP), jnp.float32),
        scratch_types=[
            pltpu.VMEM((nch, _CHUNK), jnp.int32),
            pltpu.VMEM((2, _CHUNK, DP), jnp.float32),
            pltpu.SemaphoreType.DMA,
            pltpu.SemaphoreType.DMA,
            pltpu.SemaphoreType.DMA,
            pltpu.SemaphoreType.DMA,
        ],
        compiler_params=pltpu.CompilerParams(use_tc_tiling_on_sc=False,
                                             needs_layout_passes=False),
    )
    def sc_gather(idx_hbm, table_hbm, out_hbm, idx_v, rows_v,
                  gsem0, gsem1, osem0, osem1):
        wid = lax.axis_index("s") * _NC + lax.axis_index("c")
        base = wid * per_w
        pltpu.sync_copy(idx_hbm.at[wid], idx_v)

        def gather(j, slot, sem):
            return pltpu.make_async_copy(
                table_hbm.at[idx_v.at[j]], rows_v.at[slot], sem)

        def out_copy(j, slot, sem):
            return pltpu.make_async_copy(
                rows_v.at[slot], out_hbm.at[pl.ds(base + j * _CHUNK, _CHUNK)],
                sem)

        gather(0, 0, gsem0).start()

        def body(i, carry):
            j0 = 2 * i
            j1 = 2 * i + 1
            gather(j0, 0, gsem0).wait()
            out_copy(j0, 0, osem0).start()

            @pl.when(i > 0)
            def _():
                out_copy(j0 - 1, 1, osem1).wait()

            gather(j1, 1, gsem1).start()
            out_copy(j0, 0, osem0).wait()

            @pl.when(j0 + 2 < nch)
            def _():
                gather(j0 + 2, 0, gsem0).start()

            gather(j1, 1, gsem1).wait()
            out_copy(j1, 1, osem1).start()
            return carry

        lax.fori_loop(0, nch // 2, body, 0)
        out_copy(nch - 1, 1, osem1).wait()

    return sc_gather


def _head_body(we_ref, pidx_ref, didx_ref, ptab_ref, dtab_ref, w_ref, b_ref,
               out_ref, pw_ref):
    @pl.when(pl.program_id(0) == 0)
    def _():
        for t in range(T):
            wt = w_ref[t * DP:t * DP + D, :]
            pw_ref[t * OUT:(t + 1) * OUT, :] = jnp.dot(
                ptab_ref[...], wt, preferred_element_type=jnp.float32)
            pw_ref[(T + t) * OUT:(T + t + 1) * OUT, :] = jnp.dot(
                dtab_ref[...], wt, preferred_element_type=jnp.float32)

    bsz = we_ref.shape[0]
    iota = lax.broadcasted_iota(jnp.int32, (bsz, OUT), 1)
    ohs = [(pidx_ref[:, t:t + 1] == iota).astype(jnp.float32)
           for t in range(T)]
    ohs += [(didx_ref[:, t:t + 1] == iota).astype(jnp.float32)
            for t in range(T)]
    oh = jnp.concatenate(ohs, axis=1)

    acc = jnp.dot(we_ref[...], w_ref[...], preferred_element_type=jnp.float32)
    acc = acc + jnp.dot(oh, pw_ref[...], preferred_element_type=jnp.float32)
    acc = acc + b_ref[0, :]
    m = jnp.max(acc, axis=-1, keepdims=True)
    e = jnp.exp(acc - m)
    out_ref[...] = e / jnp.sum(e, axis=-1, keepdims=True)


def _tc_head(we2d, pos_idx, dep_idx, pos_table, dep_table, W_pad, b_out2d,
             blk: int):
    B = we2d.shape[0]
    grid = (B // blk,)
    return pl.pallas_call(
        _head_body,
        grid=grid,
        in_specs=[
            pl.BlockSpec((blk, T * DP), lambda i: (i, 0)),
            pl.BlockSpec((blk, T), lambda i: (i, 0)),
            pl.BlockSpec((blk, T), lambda i: (i, 0)),
            pl.BlockSpec((OUT, D), lambda i: (0, 0)),
            pl.BlockSpec((OUT, D), lambda i: (0, 0)),
            pl.BlockSpec((T * DP, OUT), lambda i: (0, 0)),
            pl.BlockSpec((1, OUT), lambda i: (0, 0)),
        ],
        out_specs=pl.BlockSpec((blk, OUT), lambda i: (i, 0)),
        out_shape=jax.ShapeDtypeStruct((B, OUT), jnp.float32),
        scratch_shapes=[pltpu.VMEM((2 * T * OUT, OUT), jnp.float32)],
    )(we2d, pos_idx, dep_idx, pos_table, dep_table, W_pad, b_out2d)


def kernel(word_idx, pos_idx, dep_idx, word_table, pos_table, dep_table,
           W_out, b_out):
    B, t = word_idx.shape
    assert t == T
    BT = B * T
    V = word_table.shape[0]

    tbl = _densify(word_table.T, V)

    wi = word_idx.astype(jnp.int32).reshape(_NW, BT // (_NW * _CHUNK), _CHUNK)
    we = _make_sc_gather(BT, V)(wi, tbl)
    we2d = we.reshape(B, T * DP)

    W_pad = jnp.pad(W_out.reshape(T, D, OUT), ((0, 0), (0, DP - D), (0, 0)))
    W_pad = W_pad.reshape(T * DP, OUT)

    return _tc_head(we2d, pos_idx.astype(jnp.int32), dep_idx.astype(jnp.int32),
                    pos_table, dep_table, W_pad, b_out.reshape(1, OUT),
                    blk=1024)

# --- scband reference (transcript-rebuilt; emitter-appended) ---
"""Pipeline reference for scband-dependency-parsing-1297080123666 (READ-ONLY COPY).

The authoritative reference and input builder live on the scoring server;
editing this copy changes nothing except your own understanding.
"""

import jax, jax.numpy as jnp
import numpy as np

VOCAB = 1000000
POS_VOCAB = 50
DEP_VOCAB = 50
D = 100
T = 7
B = 16384
OUT = 50


def setup_inputs(seed: int = 0) -> dict:
    key = jax.random.key(seed)
    ks = jax.random.split(key, 8)
    word_idx = jax.random.randint(ks[0], (B, T), 0, VOCAB)
    pos_idx = jax.random.randint(ks[1], (B, T), 0, POS_VOCAB)
    dep_idx = jax.random.randint(ks[2], (B, T), 0, DEP_VOCAB)
    word_table = jax.random.normal(ks[3], (VOCAB, D), dtype=jnp.float32)
    pos_table = jax.random.normal(ks[4], (POS_VOCAB, D), dtype=jnp.float32)
    dep_table = jax.random.normal(ks[5], (DEP_VOCAB, D), dtype=jnp.float32)
    W_out = jax.random.normal(ks[6], (T * D, OUT), dtype=jnp.float32) * 0.02
    b_out = jnp.zeros((OUT,), dtype=jnp.float32)
    return {
        "word_idx": word_idx,
        "pos_idx": pos_idx,
        "dep_idx": dep_idx,
        "word_table": word_table,
        "pos_table": pos_table,
        "dep_table": dep_table,
        "W_out": W_out,
        "b_out": b_out,
    }


def reference(word_idx, pos_idx, dep_idx, word_table, pos_table, dep_table, W_out, b_out):
    # make_word_embedding: lookup each of the 7 tokens, flatten to [B, 700]
    we = jnp.take(word_table, word_idx, axis=0).reshape(word_idx.shape[0], T * D)
    # make_pos_embedding / make_dep_embedding: same lookup+concat pattern
    pe = jnp.take(pos_table, pos_idx, axis=0).reshape(pos_idx.shape[0], T * D)
    de = jnp.take(dep_table, dep_idx, axis=0).reshape(dep_idx.shape[0], T * D)
    input_embedding = we + pe + de
    logits = input_embedding @ W_out + b_out
    # original applies Softmax over the output vector
    output = jax.nn.softmax(logits, axis=-1)
    return output

if __name__ == "__main__":
    import jax
    _d = setup_inputs()
    print(jax.jit(kernel)(*tuple(_d.values())))

</pallas_src>

<mosaic_0001>
#map = affine_map<(d0, d1) -> (0, 0, 0)>
#map1 = affine_map<(d0, d1) -> (0, 0)>
module attributes {stable_mosaic.version = 14 : i64} {
  func.func @sc_gather(%arg0: i32, %arg1: i32, %arg2: memref<32x28x128xi32, #tpu.memory_space<hbm>>, %arg3: memref<1000000x128xf32, #tpu.memory_space<hbm>>, %arg4: memref<114688x128xf32, #tpu.memory_space<hbm>>, %arg5: memref<28x128xi32, #tpu.memory_space<vmem>>, %arg6: memref<2x128x128xf32, #tpu.memory_space<vmem>>, %arg7: memref<!tpu.dma_semaphore, #tpu.memory_space<semaphore_mem>>, %arg8: memref<!tpu.dma_semaphore, #tpu.memory_space<semaphore_mem>>, %arg9: memref<!tpu.dma_semaphore, #tpu.memory_space<semaphore_mem>>, %arg10: memref<!tpu.dma_semaphore, #tpu.memory_space<semaphore_mem>>) attributes {dimension_semantics = [#tpu.dimension_semantics<core_parallel>, #tpu.dimension_semantics<subcore_parallel>], iteration_bounds = array<i64: 2, 16>, scalar_prefetch = 0 : i64, scratch_operands = 6 : i64, tpu.core_type = #tpu.core_type<sc_vector_subcore>, window_params = [{transform_indices = #map}, {transform_indices = #map1}, {transform_indices = #map1}]} {
    %mul3A = arith.constant 2 : i32
    %mul3A_0 = arith.muli %arg1, %mul3A : i32
    %add3A = arith.addi %mul3A_0, %arg0 : i32
    %mul3A_1 = arith.constant 3584 : i32
    %mul3A_2 = arith.muli %add3A, %mul3A_1 : i32
    "tpu.region"() ({
      %run_scoped3A = tpu.sem_alloc : memref<!tpu.dma_semaphore, #tpu.memory_space<semaphore_mem>>
      %dma_start3A_33 = arith.constant 0 : i32
      %dma_start3A_34 = arith.constant 0 : i32
      %dma_start3A_35 = tpu.memref_slice %arg2[%add3A, %dma_start3A_33, %dma_start3A_34] : memref<32x28x128xi32, #tpu.memory_space<hbm>> -> memref<1x28x128xi32, #tpu.memory_space<hbm>>
      %dma_start3A_36 = tpu.memref_squeeze %dma_start3A_35 : memref<1x28x128xi32, #tpu.memory_space<hbm>> -> memref<28x128xi32, #tpu.memory_space<hbm>>
      %dma_start3A_37 = arith.constant 0 : i32
      %dma_start3A_38 = arith.constant 0 : i32
      %dma_start3A_39 = tpu.memref_slice %arg2[%add3A, %dma_start3A_37, %dma_start3A_38] : memref<32x28x128xi32, #tpu.memory_space<hbm>> -> memref<1x28x128xi32, #tpu.memory_space<hbm>>
      %dma_start3A_40 = tpu.memref_squeeze %dma_start3A_39 : memref<1x28x128xi32, #tpu.memory_space<hbm>> -> memref<28x128xi32, #tpu.memory_space<hbm>>
      tpu.enqueue_dma source(%dma_start3A_40 : memref<28x128xi32, #tpu.memory_space<hbm>>) target(%arg5 : memref<28x128xi32, #tpu.memory_space<vmem>>) target_semaphore(%run_scoped3A : memref<!tpu.dma_semaphore, #tpu.memory_space<semaphore_mem>>)
      %dma_wait3A_41 = arith.constant 0 : i32
      %dma_wait3A_42 = arith.constant 0 : i32
      %dma_wait3A_43 = tpu.memref_slice %arg2[%add3A, %dma_wait3A_41, %dma_wait3A_42] : memref<32x28x128xi32, #tpu.memory_space<hbm>> -> memref<1x28x128xi32, #tpu.memory_space<hbm>>
      %dma_wait3A_44 = tpu.memref_squeeze %dma_wait3A_43 : memref<1x28x128xi32, #tpu.memory_space<hbm>> -> memref<28x128xi32, #tpu.memory_space<hbm>>
      %dma_wait3A_45 = arith.constant 0 : i32
      %dma_wait3A_46 = arith.constant 0 : i32
      %dma_wait3A_47 = tpu.memref_slice %arg2[%add3A, %dma_wait3A_45, %dma_wait3A_46] : memref<32x28x128xi32, #tpu.memory_space<hbm>> -> memref<1x28x128xi32, #tpu.memory_space<hbm>>
      %dma_wait3A_48 = tpu.memref_squeeze %dma_wait3A_47 : memref<1x28x128xi32, #tpu.memory_space<hbm>> -> memref<28x128xi32, #tpu.memory_space<hbm>>
      tpu.wait_dma2 semaphore(%run_scoped3A : memref<!tpu.dma_semaphore, #tpu.memory_space<semaphore_mem>>) src(%dma_wait3A_48 : memref<28x128xi32, #tpu.memory_space<hbm>>) dst(%arg5 : memref<28x128xi32, #tpu.memory_space<vmem>>)
      tpu.yield
    }) : () -> ()
    %dma_start3A = arith.constant 0 : i32
    %dma_start3A_3 = arith.constant 0 : i32
    %dma_start3A_4 = arith.constant 0 : i32
    %dma_start3A_5 = arith.constant 0 : i32
    %dma_start3A_6 = tpu.memref_slice %arg6[%dma_start3A_3, %dma_start3A_4, %dma_start3A_5] : memref<2x128x128xf32, #tpu.memory_space<vmem>> -> memref<1x128x128xf32, #tpu.memory_space<vmem>>
    %dma_start3A_7 = tpu.memref_squeeze %dma_start3A_6 : memref<1x128x128xf32, #tpu.memory_space<vmem>> -> memref<128x128xf32, #tpu.memory_space<vmem>>
    %dma_start3A_8 = arith.constant 0 : i32
    %dma_start3A_9 = tpu.memref_slice %arg5[%dma_start3A, %dma_start3A_8] : memref<28x128xi32, #tpu.memory_space<vmem>> -> memref<1x128xi32, #tpu.memory_space<vmem>>
    %dma_start3A_10 = tpu.memref_squeeze %dma_start3A_9 : memref<1x128xi32, #tpu.memory_space<vmem>> -> memref<128xi32, #tpu.memory_space<vmem>>
    %dma_start3A_11 = arith.constant 0 : i32
    %dma_start3A_12 = arith.constant 0 : i32
    %dma_start3A_13 = tpu.memref_slice %arg3[%dma_start3A_11, %dma_start3A_12] : memref<1000000x128xf32, #tpu.memory_space<hbm>> -> memref<1000000x128xf32, #tpu.memory_space<hbm>>
    tpu.enqueue_indirect_dma source(%dma_start3A_13 : memref<1000000x128xf32, #tpu.memory_space<hbm>>) target(%dma_start3A_7 : memref<128x128xf32, #tpu.memory_space<vmem>>) offsets(%dma_start3A_10 : memref<128xi32, #tpu.memory_space<vmem>>) semaphore(%arg7 : memref<!tpu.dma_semaphore, #tpu.memory_space<semaphore_mem>>)
    %scan3A = arith.constant 0 : i32
    %scan3A_14 = arith.constant 0 : i32
    %scan3A_15 = arith.constant 14 : i32
    %scan3A_16 = arith.addi %scan3A_14, %scan3A_15 : i32
    %scan3A_17 = arith.constant 1 : i32
    scf.for %scan3A_33 = %scan3A_14 to %scan3A_16 step %scan3A_17  : i32 {
      %mul3A_34 = arith.constant 2 : i32
      %mul3A_35 = arith.muli %mul3A_34, %scan3A_33 : i32
      %mul3A_36 = arith.constant 2 : i32
      %mul3A_37 = arith.muli %mul3A_36, %scan3A_33 : i32
      %add3A_38 = arith.constant 1 : i32
      %add3A_39 = arith.addi %mul3A_37, %add3A_38 : i32
      %dma_wait3A_40 = arith.constant 0 : i32
      %dma_wait3A_41 = arith.constant 0 : i32
      %dma_wait3A_42 = arith.constant 0 : i32
      %dma_wait3A_43 = tpu.memref_slice %arg6[%dma_wait3A_40, %dma_wait3A_41, %dma_wait3A_42] : memref<2x128x128xf32, #tpu.memory_space<vmem>> -> memref<1x128x128xf32, #tpu.memory_space<vmem>>
      %dma_wait3A_44 = tpu.memref_squeeze %dma_wait3A_43 : memref<1x128x128xf32, #tpu.memory_space<vmem>> -> memref<128x128xf32, #tpu.memory_space<vmem>>
      %dma_wait3A_45 = arith.constant 0 : i32
      %dma_wait3A_46 = tpu.memref_slice %arg5[%mul3A_35, %dma_wait3A_45] : memref<28x128xi32, #tpu.memory_space<vmem>> -> memref<1x128xi32, #tpu.memory_space<vmem>>
      %dma_wait3A_47 = tpu.memref_squeeze %dma_wait3A_46 : memref<1x128xi32, #tpu.memory_space<vmem>> -> memref<128xi32, #tpu.memory_space<vmem>>
      %dma_wait3A_48 = arith.constant 0 : i32
      %dma_wait3A_49 = arith.constant 0 : i32
      %dma_wait3A_50 = tpu.memref_slice %arg3[%dma_wait3A_48, %dma_wait3A_49] : memref<1000000x128xf32, #tpu.memory_space<hbm>> -> memref<1000000x128xf32, #tpu.memory_space<hbm>>
      tpu.wait_indirect_dma semaphore(%arg7 : memref<!tpu.dma_semaphore, #tpu.memory_space<semaphore_mem>>) src(%dma_wait3A_50 : memref<1000000x128xf32, #tpu.memory_space<hbm>>) dst(%dma_wait3A_44 : memref<128x128xf32, #tpu.memory_space<vmem>>)
      %mul3A_51 = arith.constant 128 : i32
      %mul3A_52 = arith.muli %mul3A_35, %mul3A_51 : i32
      %add3A_53 = arith.addi %mul3A_2, %mul3A_52 : i32
      %dma_start3A_54 = arith.constant 0 : i32
      %dma_start3A_55 = arith.constant 0 : i32
      %dma_start3A_56 = arith.constant 0 : i32
      %dma_start3A_57 = tpu.memref_slice %arg6[%dma_start3A_54, %dma_start3A_55, %dma_start3A_56] : memref<2x128x128xf32, #tpu.memory_space<vmem>> -> memref<1x128x128xf32, #tpu.memory_space<vmem>>
      %dma_start3A_58 = tpu.memref_squeeze %dma_start3A_57 : memref<1x128x128xf32, #tpu.memory_space<vmem>> -> memref<128x128xf32, #tpu.memory_space<vmem>>
      %dma_start3A_59 = arith.constant 0 : i32
      %dma_start3A_60 = tpu.memref_slice %arg4[%add3A_53, %dma_start3A_59] : memref<114688x128xf32, #tpu.memory_space<hbm>> -> memref<128x128xf32, #tpu.memory_space<hbm>>
      %dma_start3A_61 = arith.constant 0 : i32
      %dma_start3A_62 = tpu.memref_slice %arg4[%add3A_53, %dma_start3A_61] : memref<114688x128xf32, #tpu.memory_space<hbm>> -> memref<128x128xf32, #tpu.memory_space<hbm>>
      %dma_start3A_63 = arith.constant 0 : i32
      %dma_start3A_64 = arith.constant 0 : i32
      %dma_start3A_65 = tpu.memref_slice %arg6[%dma_start3A_54, %dma_start3A_63, %dma_start3A_64] : memref<2x128x128xf32, #tpu.memory_space<vmem>> -> memref<1x128x128xf32, #tpu.memory_space<vmem>>
      %dma_start3A_66 = tpu.memref_squeeze %dma_start3A_65 : memref<1x128x128xf32, #tpu.memory_space<vmem>> -> memref<128x128xf32, #tpu.memory_space<vmem>>
      tpu.enqueue_dma source(%dma_start3A_66 : memref<128x128xf32, #tpu.memory_space<vmem>>) target(%dma_start3A_62 : memref<128x128xf32, #tpu.memory_space<hbm>>) target_semaphore(%arg9 : memref<!tpu.dma_semaphore, #tpu.memory_space<semaphore_mem>>)
      %gt3A = arith.constant 0 : i32
      %gt3A_67 = arith.cmpi sgt, %scan3A_33, %gt3A : i32
      %convert_element_type3A = arith.extui %gt3A_67 : i1 to i32
      %cond3A = arith.constant 0 : i32
      %cond3A_68 = arith.cmpi ne, %convert_element_type3A, %cond3A : i32
      scf.if %cond3A_68 {
        %sub3A = arith.constant 1 : i32
        %sub3A_129 = arith.subi %mul3A_35, %sub3A : i32
        %mul3A_130 = arith.constant 128 : i32
        %mul3A_131 = arith.muli %sub3A_129, %mul3A_130 : i32
        %add3A_132 = arith.addi %mul3A_2, %mul3A_131 : i32
        %dma_wait3A_133 = arith.constant 1 : i32
        %dma_wait3A_134 = arith.constant 0 : i32
        %dma_wait3A_135 = arith.constant 0 : i32
        %dma_wait3A_136 = tpu.memref_slice %arg6[%dma_wait3A_133, %dma_wait3A_134, %dma_wait3A_135] : memref<2x128x128xf32, #tpu.memory_space<vmem>> -> memref<1x128x128xf32, #tpu.memory_space<vmem>>
        %dma_wait3A_137 = tpu.memref_squeeze %dma_wait3A_136 : memref<1x128x128xf32, #tpu.memory_space<vmem>> -> memref<128x128xf32, #tpu.memory_space<vmem>>
        %dma_wait3A_138 = arith.constant 0 : i32
        %dma_wait3A_139 = tpu.memref_slice %arg4[%add3A_132, %dma_wait3A_138] : memref<114688x128xf32, #tpu.memory_space<hbm>> -> memref<128x128xf32, #tpu.memory_space<hbm>>
        %dma_wait3A_140 = arith.constant 0 : i32
        %dma_wait3A_141 = tpu.memref_slice %arg4[%add3A_132, %dma_wait3A_140] : memref<114688x128xf32, #tpu.memory_space<hbm>> -> memref<128x128xf32, #tpu.memory_space<hbm>>
        %dma_wait3A_142 = arith.constant 0 : i32
        %dma_wait3A_143 = arith.constant 0 : i32
        %dma_wait3A_144 = tpu.memref_slice %arg6[%dma_wait3A_133, %dma_wait3A_142, %dma_wait3A_143] : memref<2x128x128xf32, #tpu.memory_space<vmem>> -> memref<1x128x128xf32, #tpu.memory_space<vmem>>
        %dma_wait3A_145 = tpu.memref_squeeze %dma_wait3A_144 : memref<1x128x128xf32, #tpu.memory_space<vmem>> -> memref<128x128xf32, #tpu.memory_space<vmem>>
        tpu.wait_dma2 semaphore(%arg10 : memref<!tpu.dma_semaphore, #tpu.memory_space<semaphore_mem>>) src(%dma_wait3A_145 : memref<128x128xf32, #tpu.memory_space<vmem>>) dst(%dma_wait3A_141 : memref<128x128xf32, #tpu.memory_space<hbm>>)
      } else {
      }
      %dma_start3A_69 = arith.constant 1 : i32
      %dma_start3A_70 = arith.constant 0 : i32
      %dma_start3A_71 = arith.constant 0 : i32
      %dma_start3A_72 = tpu.memref_slice %arg6[%dma_start3A_69, %dma_start3A_70, %dma_start3A_71] : memref<2x128x128xf32, #tpu.memory_space<vmem>> -> memref<1x128x128xf32, #tpu.memory_space<vmem>>
      %dma_start3A_73 = tpu.memref_squeeze %dma_start3A_72 : memref<1x128x128xf32, #tpu.memory_space<vmem>> -> memref<128x128xf32, #tpu.memory_space<vmem>>
      %dma_start3A_74 = arith.constant 0 : i32
      %dma_start3A_75 = tpu.memref_slice %arg5[%add3A_39, %dma_start3A_74] : memref<28x128xi32, #tpu.memory_space<vmem>> -> memref<1x128xi32, #tpu.memory_space<vmem>>
      %dma_start3A_76 = tpu.memref_squeeze %dma_start3A_75 : memref<1x128xi32, #tpu.memory_space<vmem>> -> memref<128xi32, #tpu.memory_space<vmem>>
      %dma_start3A_77 = arith.constant 0 : i32
      %dma_start3A_78 = arith.constant 0 : i32
      %dma_start3A_79 = tpu.memref_slice %arg3[%dma_start3A_77, %dma_start3A_78] : memref<1000000x128xf32, #tpu.memory_space<hbm>> -> memref<1000000x128xf32, #tpu.memory_space<hbm>>
      tpu.enqueue_indirect_dma source(%dma_start3A_79 : memref<1000000x128xf32, #tpu.memory_space<hbm>>) target(%dma_start3A_73 : memref<128x128xf32, #tpu.memory_space<vmem>>) offsets(%dma_start3A_76 : memref<128xi32, #tpu.memory_space<vmem>>) semaphore(%arg8 : memref<!tpu.dma_semaphore, #tpu.memory_space<semaphore_mem>>)
      %mul3A_80 = arith.constant 128 : i32
      %mul3A_81 = arith.muli %mul3A_35, %mul3A_80 : i32
      %add3A_82 = arith.addi %mul3A_2, %mul3A_81 : i32
      %dma_wait3A_83 = arith.constant 0 : i32
      %dma_wait3A_84 = arith.constant 0 : i32
      %dma_wait3A_85 = arith.constant 0 : i32
      %dma_wait3A_86 = tpu.memref_slice %arg6[%dma_wait3A_83, %dma_wait3A_84, %dma_wait3A_85] : memref<2x128x128xf32, #tpu.memory_space<vmem>> -> memref<1x128x128xf32, #tpu.memory_space<vmem>>
      %dma_wait3A_87 = tpu.memref_squeeze %dma_wait3A_86 : memref<1x128x128xf32, #tpu.memory_space<vmem>> -> memref<128x128xf32, #tpu.memory_space<vmem>>
      %dma_wait3A_88 = arith.constant 0 : i32
      %dma_wait3A_89 = tpu.memref_slice %arg4[%add3A_82, %dma_wait3A_88] : memref<114688x128xf32, #tpu.memory_space<hbm>> -> memref<128x128xf32, #tpu.memory_space<hbm>>
      %dma_wait3A_90 = arith.constant 0 : i32
      %dma_wait3A_91 = tpu.memref_slice %arg4[%add3A_82, %dma_wait3A_90] : memref<114688x128xf32, #tpu.memory_space<hbm>> -> memref<128x128xf32, #tpu.memory_space<hbm>>
      %dma_wait3A_92 = arith.constant 0 : i32
      %dma_wait3A_93 = arith.constant 0 : i32
      %dma_wait3A_94 = tpu.memref_slice %arg6[%dma_wait3A_83, %dma_wait3A_92, %dma_wait3A_93] : memref<2x128x128xf32, #tpu.memory_space<vmem>> -> memref<1x128x128xf32, #tpu.memory_space<vmem>>
      %dma_wait3A_95 = tpu.memref_squeeze %dma_wait3A_94 : memref<1x128x128xf32, #tpu.memory_space<vmem>> -> memref<128x128xf32, #tpu.memory_space<vmem>>
      tpu.wait_dma2 semaphore(%arg9 : memref<!tpu.dma_semaphore, #tpu.memory_space<semaphore_mem>>) src(%dma_wait3A_95 : memref<128x128xf32, #tpu.memory_space<vmem>>) dst(%dma_wait3A_91 : memref<128x128xf32, #tpu.memory_space<hbm>>)
      %add3A_96 = arith.constant 2 : i32
      %add3A_97 = arith.addi %mul3A_35, %add3A_96 : i32
      %lt3A = arith.constant 28 : i32
      %lt3A_98 = arith.cmpi slt, %add3A_97, %lt3A : i32
      %convert_element_type3A_99 = arith.extui %lt3A_98 : i1 to i32
      %cond3A_100 = arith.constant 0 : i32
      %cond3A_101 = arith.cmpi ne, %convert_element_type3A_99, %cond3A_100 : i32
      scf.if %cond3A_101 {
        %add3A_129 = arith.constant 2 : i32
        %add3A_130 = arith.addi %mul3A_35, %add3A_129 : i32
        %dma_start3A_131 = arith.constant 0 : i32
        %dma_start3A_132 = arith.constant 0 : i32
        %dma_start3A_133 = arith.constant 0 : i32
        %dma_start3A_134 = tpu.memref_slice %arg6[%dma_start3A_131, %dma_start3A_132, %dma_start3A_133] : memref<2x128x128xf32, #tpu.memory_space<vmem>> -> memref<1x128x128xf32, #tpu.memory_space<vmem>>
        %dma_start3A_135 = tpu.memref_squeeze %dma_start3A_134 : memref<1x128x128xf32, #tpu.memory_space<vmem>> -> memref<128x128xf32, #tpu.memory_space<vmem>>
        %dma_start3A_136 = arith.constant 0 : i32
        %dma_start3A_137 = tpu.memref_slice %arg5[%add3A_130, %dma_start3A_136] : memref<28x128xi32, #tpu.memory_space<vmem>> -> memref<1x128xi32, #tpu.memory_space<vmem>>
        %dma_start3A_138 = tpu.memref_squeeze %dma_start3A_137 : memref<1x128xi32, #tpu.memory_space<vmem>> -> memref<128xi32, #tpu.memory_space<vmem>>
        %dma_start3A_139 = arith.constant 0 : i32
        %dma_start3A_140 = arith.constant 0 : i32
        %dma_start3A_141 = tpu.memref_slice %arg3[%dma_start3A_139, %dma_start3A_140] : memref<1000000x128xf32, #tpu.memory_space<hbm>> -> memref<1000000x128xf32, #tpu.memory_space<hbm>>
        tpu.enqueue_indirect_dma source(%dma_start3A_141 : memref<1000000x128xf32, #tpu.memory_space<hbm>>) target(%dma_start3A_135 : memref<128x128xf32, #tpu.memory_space<vmem>>) offsets(%dma_start3A_138 : memref<128xi32, #tpu.memory_space<vmem>>) semaphore(%arg7 : memref<!tpu.dma_semaphore, #tpu.memory_space<semaphore_mem>>)
      } else {
      }
      %dma_wait3A_102 = arith.constant 1 : i32
      %dma_wait3A_103 = arith.constant 0 : i32
      %dma_wait3A_104 = arith.constant 0 : i32
      %dma_wait3A_105 = tpu.memref_slice %arg6[%dma_wait3A_102, %dma_wait3A_103, %dma_wait3A_104] : memref<2x128x128xf32, #tpu.memory_space<vmem>> -> memref<1x128x128xf32, #tpu.memory_space<vmem>>
      %dma_wait3A_106 = tpu.memref_squeeze %dma_wait3A_105 : memref<1x128x128xf32, #tpu.memory_space<vmem>> -> memref<128x128xf32, #tpu.memory_space<vmem>>
      %dma_wait3A_107 = arith.constant 0 : i32
      %dma_wait3A_108 = tpu.memref_slice %arg5[%add3A_39, %dma_wait3A_107] : memref<28x128xi32, #tpu.memory_space<vmem>> -> memref<1x128xi32, #tpu.memory_space<vmem>>
      %dma_wait3A_109 = tpu.memref_squeeze %dma_wait3A_108 : memref<1x128xi32, #tpu.memory_space<vmem>> -> memref<128xi32, #tpu.memory_space<vmem>>
      %dma_wait3A_110 = arith.constant 0 : i32
      %dma_wait3A_111 = arith.constant 0 : i32
      %dma_wait3A_112 = tpu.memref_slice %arg3[%dma_wait3A_110, %dma_wait3A_111] : memref<1000000x128xf32, #tpu.memory_space<hbm>> -> memref<1000000x128xf32, #tpu.memory_space<hbm>>
      tpu.wait_indirect_dma semaphore(%arg8 : memref<!tpu.dma_semaphore, #tpu.memory_space<semaphore_mem>>) src(%dma_wait3A_112 : memref<1000000x128xf32, #tpu.memory_space<hbm>>) dst(%dma_wait3A_106 : memref<128x128xf32, #tpu.memory_space<vmem>>)
      %mul3A_113 = arith.constant 128 : i32
      %mul3A_114 = arith.muli %add3A_39, %mul3A_113 : i32
      %add3A_115 = arith.addi %mul3A_2, %mul3A_114 : i32
      %dma_start3A_116 = arith.constant 1 : i32
      %dma_start3A_117 = arith.constant 0 : i32
      %dma_start3A_118 = arith.constant 0 : i32
      %dma_start3A_119 = tpu.memref_slice %arg6[%dma_start3A_116, %dma_start3A_117, %dma_start3A_118] : memref<2x128x128xf32, #tpu.memory_space<vmem>> -> memref<1x128x128xf32, #tpu.memory_space<vmem>>
      %dma_start3A_120 = tpu.memref_squeeze %dma_start3A_119 : memref<1x128x128xf32, #tpu.memory_space<vmem>> -> memref<128x128xf32, #tpu.memory_space<vmem>>
      %dma_start3A_121 = arith.constant 0 : i32
      %dma_start3A_122 = tpu.memref_slice %arg4[%add3A_115, %dma_start3A_121] : memref<114688x128xf32, #tpu.memory_space<hbm>> -> memref<128x128xf32, #tpu.memory_space<hbm>>
      %dma_start3A_123 = arith.constant 0 : i32
      %dma_start3A_124 = tpu.memref_slice %arg4[%add3A_115, %dma_start3A_123] : memref<114688x128xf32, #tpu.memory_space<hbm>> -> memref<128x128xf32, #tpu.memory_space<hbm>>
      %dma_start3A_125 = arith.constant 0 : i32
      %dma_start3A_126 = arith.constant 0 : i32
      %dma_start3A_127 = tpu.memref_slice %arg6[%dma_start3A_116, %dma_start3A_125, %dma_start3A_126] : memref<2x128x128xf32, #tpu.memory_space<vmem>> -> memref<1x128x128xf32, #tpu.memory_space<vmem>>
      %dma_start3A_128 = tpu.memref_squeeze %dma_start3A_127 : memref<1x128x128xf32, #tpu.memory_space<vmem>> -> memref<128x128xf32, #tpu.memory_space<vmem>>
      tpu.enqueue_dma source(%dma_start3A_128 : memref<128x128xf32, #tpu.memory_space<vmem>>) target(%dma_start3A_124 : memref<128x128xf32, #tpu.memory_space<hbm>>) target_semaphore(%arg10 : memref<!tpu.dma_semaphore, #tpu.memory_space<semaphore_mem>>)
    }
    %scan3A_18 = arith.constant 14 : i32
    %add3A_19 = arith.constant 3456 : i32
    %add3A_20 = arith.addi %mul3A_2, %add3A_19 : i32
    %dma_wait3A = arith.constant 1 : i32
    %dma_wait3A_21 = arith.constant 0 : i32
    %dma_wait3A_22 = arith.constant 0 : i32
    %dma_wait3A_23 = tpu.memref_slice %arg6[%dma_wait3A, %dma_wait3A_21, %dma_wait3A_22] : memref<2x128x128xf32, #tpu.memory_space<vmem>> -> memref<1x128x128xf32, #tpu.memory_space<vmem>>
    %dma_wait3A_24 = tpu.memref_squeeze %dma_wait3A_23 : memref<1x128x128xf32, #tpu.memory_space<vmem>> -> memref<128x128xf32, #tpu.memory_space<vmem>>
    %dma_wait3A_25 = arith.constant 0 : i32
    %dma_wait3A_26 = tpu.memref_slice %arg4[%add3A_20, %dma_wait3A_25] : memref<114688x128xf32, #tpu.memory_space<hbm>> -> memref<128x128xf32, #tpu.memory_space<hbm>>
    %dma_wait3A_27 = arith.constant 0 : i32
    %dma_wait3A_28 = tpu.memref_slice %arg4[%add3A_20, %dma_wait3A_27] : memref<114688x128xf32, #tpu.memory_space<hbm>> -> memref<128x128xf32, #tpu.memory_space<hbm>>
    %dma_wait3A_29 = arith.constant 0 : i32
    %dma_wait3A_30 = arith.constant 0 : i32
    %dma_wait3A_31 = tpu.memref_slice %arg6[%dma_wait3A, %dma_wait3A_29, %dma_wait3A_30] : memref<2x128x128xf32, #tpu.memory_space<vmem>> -> memref<1x128x128xf32, #tpu.memory_space<vmem>>
    %dma_wait3A_32 = tpu.memref_squeeze %dma_wait3A_31 : memref<1x128x128xf32, #tpu.memory_space<vmem>> -> memref<128x128xf32, #tpu.memory_space<vmem>>
    tpu.wait_dma2 semaphore(%arg10 : memref<!tpu.dma_semaphore, #tpu.memory_space<semaphore_mem>>) src(%dma_wait3A_32 : memref<128x128xf32, #tpu.memory_space<vmem>>) dst(%dma_wait3A_28 : memref<128x128xf32, #tpu.memory_space<hbm>>)
    return
  }
}

module attributes {stable_mosaic.version = 14 : i64} {
  func.func @_tr_body(%arg0: i32, %arg1: memref<100x16384xf32, #tpu.memory_space<vmem>>, %arg2: memref<100x100xf32, #tpu.memory_space<vmem>>, %arg3: memref<16384x128xf32, #tpu.memory_space<vmem>>) attributes {dimension_semantics = [#tpu.dimension_semantics<arbitrary>], iteration_bounds = array<i64: 62>, scalar_prefetch = 0 : i64, scratch_operands = 0 : i64, tpu.core_type = #tpu.core_type<tc>, window_params = [{transform_indices = @transform_0, window_bounds = array<i64: 100, 16384>}, {pipeline_mode = #tpu.pipeline_mode<synchronous>, transform_indices = @transform_1, window_bounds = array<i64: 100, 100>}, {transform_indices = @transform_2, window_bounds = array<i64: 16384, 128>}]} {
    %get3A = arith.constant 0 : index
    %get3A_0 = arith.constant 0 : index
    %get3A_1 = vector.load %arg1[%get3A, %get3A_0] : memref<100x16384xf32, #tpu.memory_space<vmem>>, vector<100x16384xf32>
    %get3A_2 = arith.constant 0 : index
    %get3A_3 = arith.constant 0 : index
    %get3A_4 = vector.load %arg2[%get3A_2, %get3A_3] : memref<100x100xf32, #tpu.memory_space<vmem>>, vector<100x100xf32>
    %dot_general3A = arith.constant dense<0.000000e+00> : vector<16384x100xf32>
    %dot_general3A_5 = tpu.matmul %get3A_1, %get3A_4, %dot_general3A {dimension_numbers = #tpu.dot_dimension_numbers<[0], [0], [1], [1], [0, 1, 1, 1], [], []>, transpose_lhs_hint = false} : vector<100x16384xf32>, vector<100x100xf32>, vector<16384x100xf32> -> vector<16384x100xf32>
    %swap3A = arith.constant 0 : index
    %swap3A_6 = arith.constant 0 : index
    %swap3A_7 = vector.load %arg3[%swap3A, %swap3A_6] : memref<16384x128xf32, #tpu.memory_space<vmem>>, vector<16384x100xf32>
    tpu.vector_store %arg3[%swap3A, %swap3A_6], %dot_general3A_5 {strides = array<i32>} : memref<16384x128xf32, #tpu.memory_space<vmem>>, vector<16384x100xf32>,
    %broadcast_in_dim3A = arith.constant 0.000000e+00 : f32
    %broadcast_in_dim3A_8 = vector.broadcast %broadcast_in_dim3A : f32 to vector<16384x28xf32>
    %swap3A_9 = arith.constant 0 : index
    %swap3A_10 = arith.constant 100 : index
    %swap3A_11 = vector.load %arg3[%swap3A_9, %swap3A_10] : memref<16384x128xf32, #tpu.memory_space<vmem>>, vector<16384x28xf32>
    tpu.vector_store %arg3[%swap3A_9, %swap3A_10], %broadcast_in_dim3A_8 {strides = array<i32>} : memref<16384x128xf32, #tpu.memory_space<vmem>>, vector<16384x28xf32>,
    return
  }
  func.func @transform_0(%arg0: i32) -> (i32, i32) {
    %c0_i32 = arith.constant 0 : i32
    %c0_i32_0 = arith.constant 0 : i32
    return %c0_i32, %arg0 : i32, i32
  }
  func.func @transform_1(%arg0: i32) -> (i32, i32) {
    %c0_i32 = arith.constant 0 : i32
    %c0_i32_0 = arith.constant 0 : i32
    %c0_i32_1 = arith.constant 0 : i32
    return %c0_i32, %c0_i32_0 : i32, i32
  }
  func.func @transform_2(%arg0: i32) -> (i32, i32) {
    %c0_i32 = arith.constant 0 : i32
    %c0_i32_0 = arith.constant 0 : i32
    return %arg0, %c0_i32 : i32, i32
  }
}

module attributes {stable_mosaic.version = 14 : i64} {
  func.func @_head_body(%arg0: i32, %arg1: memref<1024x896xf32, #tpu.memory_space<vmem>>, %arg2: memref<1024x7xi32, #tpu.memory_space<vmem>>, %arg3: memref<1024x7xi32, #tpu.memory_space<vmem>>, %arg4: memref<50x100xf32, #tpu.memory_space<vmem>>, %arg5: memref<50x100xf32, #tpu.memory_space<vmem>>, %arg6: memref<896x50xf32, #tpu.memory_space<vmem>>, %arg7: memref<1x50xf32, #tpu.memory_space<vmem>>, %arg8: memref<1024x50xf32, #tpu.memory_space<vmem>>, %arg9: memref<700x50xf32, #tpu.memory_space<vmem>>) attributes {dimension_semantics = [#tpu.dimension_semantics<arbitrary>], iteration_bounds = array<i64: 16>, scalar_prefetch = 0 : i64, scratch_operands = 1 : i64, tpu.core_type = #tpu.core_type<tc>, window_params = [{transform_indices = @transform_0, window_bounds = array<i64: 1024, 896>}, {transform_indices = @transform_1, window_bounds = array<i64: 1024, 7>}, {transform_indices = @transform_2, window_bounds = array<i64: 1024, 7>}, {pipeline_mode = #tpu.pipeline_mode<synchronous>, transform_indices = @transform_3, window_bounds = array<i64: 50, 100>}, {pipeline_mode = #tpu.pipeline_mode<synchronous>, transform_indices = @transform_4, window_bounds = array<i64: 50, 100>}, {pipeline_mode = #tpu.pipeline_mode<synchronous>, transform_indices = @transform_5, window_bounds = array<i64: 896, 50>}, {pipeline_mode = #tpu.pipeline_mode<synchronous>, transform_indices = @transform_6, window_bounds = array<i64: 1, 50>}, {transform_indices = @transform_7, window_bounds = array<i64: 1024, 50>}]} {
    %eq3A = arith.constant 0 : i32
    %eq3A_0 = arith.cmpi eq, %arg0, %eq3A : i32
    %convert_element_type3A = arith.extui %eq3A_0 : i1 to i32
    %cond3A = arith.constant 0 : i32
    %cond3A_1 = arith.cmpi ne, %convert_element_type3A, %cond3A : i32
    scf.if %cond3A_1 {
      %get3A_125 = arith.constant 0 : index
      %get3A_126 = arith.constant 0 : index
      %get3A_127 = vector.load %arg6[%get3A_125, %get3A_126] : memref<896x50xf32, #tpu.memory_space<vmem>>, vector<100x50xf32>
      %get3A_128 = arith.constant 0 : index
      %get3A_129 = arith.constant 0 : index
      %get3A_130 = vector.load %arg4[%get3A_128, %get3A_129] : memref<50x100xf32, #tpu.memory_space<vmem>>, vector<50x100xf32>
      %dot_general3A_131 = arith.constant dense<0.000000e+00> : vector<50x50xf32>
      %dot_general3A_132 = tpu.matmul %get3A_130, %get3A_127, %dot_general3A_131 {dimension_numbers = #tpu.dot_dimension_numbers<[1], [0], [0], [1], [0, 0, 1, 1], [], []>, transpose_lhs_hint = false} : vector<50x100xf32>, vector<100x50xf32>, vector<50x50xf32> -> vector<50x50xf32>
      %swap3A_133 = arith.constant 0 : index
      %swap3A_134 = arith.constant 0 : index
      %swap3A_135 = vector.load %arg9[%swap3A_133, %swap3A_134] : memref<700x50xf32, #tpu.memory_space<vmem>>, vector<50x50xf32>
      tpu.vector_store %arg9[%swap3A_133, %swap3A_134], %dot_general3A_132 {strides = array<i32>} : memref<700x50xf32, #tpu.memory_space<vmem>>, vector<50x50xf32>,
      %get3A_136 = arith.constant 0 : index
      %get3A_137 = arith.constant 0 : index
      %get3A_138 = vector.load %arg5[%get3A_136, %get3A_137] : memref<50x100xf32, #tpu.memory_space<vmem>>, vector<50x100xf32>
      %dot_general3A_139 = arith.constant dense<0.000000e+00> : vector<50x50xf32>
      %dot_general3A_140 = tpu.matmul %get3A_138, %get3A_127, %dot_general3A_139 {dimension_numbers = #tpu.dot_dimension_numbers<[1], [0], [0], [1], [0, 0, 1, 1], [], []>, transpose_lhs_hint = false} : vector<50x100xf32>, vector<100x50xf32>, vector<50x50xf32> -> vector<50x50xf32>
      %swap3A_141 = arith.constant 350 : index
      %swap3A_142 = arith.constant 0 : index
      %swap3A_143 = vector.load %arg9[%swap3A_141, %swap3A_142] : memref<700x50xf32, #tpu.memory_space<vmem>>, vector<50x50xf32>
      tpu.vector_store %arg9[%swap3A_141, %swap3A_142], %dot_general3A_140 {strides = array<i32>} : memref<700x50xf32, #tpu.memory_space<vmem>>, vector<50x50xf32>,
      %get3A_144 = arith.constant 128 : index
      %get3A_145 = arith.constant 0 : index
      %get3A_146 = vector.load %arg6[%get3A_144, %get3A_145] : memref<896x50xf32, #tpu.memory_space<vmem>>, vector<100x50xf32>
      %get3A_147 = arith.constant 0 : index
      %get3A_148 = arith.constant 0 : index
      %get3A_149 = vector.load %arg4[%get3A_147, %get3A_148] : memref<50x100xf32, #tpu.memory_space<vmem>>, vector<50x100xf32>
      %dot_general3A_150 = arith.constant dense<0.000000e+00> : vector<50x50xf32>
      %dot_general3A_151 = tpu.matmul %get3A_149, %get3A_146, %dot_general3A_150 {dimension_numbers = #tpu.dot_dimension_numbers<[1], [0], [0], [1], [0, 0, 1, 1], [], []>, transpose_lhs_hint = false} : vector<50x100xf32>, vector<100x50xf32>, vector<50x50xf32> -> vector<50x50xf32>
      %swap3A_152 = arith.constant 50 : index
      %swap3A_153 = arith.constant 0 : index
      %swap3A_154 = vector.load %arg9[%swap3A_152, %swap3A_153] : memref<700x50xf32, #tpu.memory_space<vmem>>, vector<50x50xf32>
      tpu.vector_store %arg9[%swap3A_152, %swap3A_153], %dot_general3A_151 {strides = array<i32>} : memref<700x50xf32, #tpu.memory_space<vmem>>, vector<50x50xf32>,
      %get3A_155 = arith.constant 0 : index
      %get3A_156 = arith.constant 0 : index
      %get3A_157 = vector.load %arg5[%get3A_155, %get3A_156] : memref<50x100xf32, #tpu.memory_space<vmem>>, vector<50x100xf32>
      %dot_general3A_158 = arith.constant dense<0.000000e+00> : vector<50x50xf32>
      %dot_general3A_159 = tpu.matmul %get3A_157, %get3A_146, %dot_general3A_158 {dimension_numbers = #tpu.dot_dimension_numbers<[1], [0], [0], [1], [0, 0, 1, 1], [], []>, transpose_lhs_hint = false} : vector<50x100xf32>, vector<100x50xf32>, vector<50x50xf32> -> vector<50x50xf32>
      %swap3A_160 = arith.constant 400 : index
      %swap3A_161 = arith.constant 0 : index
      %swap3A_162 = vector.load %arg9[%swap3A_160, %swap3A_161] : memref<700x50xf32, #tpu.memory_space<vmem>>, vector<50x50xf32>
      tpu.vector_store %arg9[%swap3A_160, %swap3A_161], %dot_general3A_159 {strides = array<i32>} : memref<700x50xf32, #tpu.memory_space<vmem>>, vector<50x50xf32>,
      %get3A_163 = arith.constant 256 : index
      %get3A_164 = arith.constant 0 : index
      %get3A_165 = vector.load %arg6[%get3A_163, %get3A_164] : memref<896x50xf32, #tpu.memory_space<vmem>>, vector<100x50xf32>
      %get3A_166 = arith.constant 0 : index
      %get3A_167 = arith.constant 0 : index
      %get3A_168 = vector.load %arg4[%get3A_166, %get3A_167] : memref<50x100xf32, #tpu.memory_space<vmem>>, vector<50x100xf32>
      %dot_general3A_169 = arith.constant dense<0.000000e+00> : vector<50x50xf32>
      %dot_general3A_170 = tpu.matmul %get3A_168, %get3A_165, %dot_general3A_169 {dimension_numbers = #tpu.dot_dimension_numbers<[1], [0], [0], [1], [0, 0, 1, 1], [], []>, transpose_lhs_hint = false} : vector<50x100xf32>, vector<100x50xf32>, vector<50x50xf32> -> vector<50x50xf32>
      %swap3A_171 = arith.constant 100 : index
      %swap3A_172 = arith.constant 0 : index
      %swap3A_173 = vector.load %arg9[%swap3A_171, %swap3A_172] : memref<700x50xf32, #tpu.memory_space<vmem>>, vector<50x50xf32>
      tpu.vector_store %arg9[%swap3A_171, %swap3A_172], %dot_general3A_170 {strides = array<i32>} : memref<700x50xf32, #tpu.memory_space<vmem>>, vector<50x50xf32>,
      %get3A_174 = arith.constant 0 : index
      %get3A_175 = arith.constant 0 : index
      %get3A_176 = vector.load %arg5[%get3A_174, %get3A_175] : memref<50x100xf32, #tpu.memory_space<vmem>>, vector<50x100xf32>
      %dot_general3A_177 = arith.constant dense<0.000000e+00> : vector<50x50xf32>
      %dot_general3A_178 = tpu.matmul %get3A_176, %get3A_165, %dot_general3A_177 {dimension_numbers = #tpu.dot_dimension_numbers<[1], [0], [0], [1], [0, 0, 1, 1], [], []>, transpose_lhs_hint = false} : vector<50x100xf32>, vector<100x50xf32>, vector<50x50xf32> -> vector<50x50xf32>
      %swap3A_179 = arith.constant 450 : index
      %swap3A_180 = arith.constant 0 : index
      %swap3A_181 = vector.load %arg9[%swap3A_179, %swap3A_180] : memref<700x50xf32, #tpu.memory_space<vmem>>, vector<50x50xf32>
      tpu.vector_store %arg9[%swap3A_179, %swap3A_180], %dot_general3A_178 {strides = array<i32>} : memref<700x50xf32, #tpu.memory_space<vmem>>, vector<50x50xf32>,
      %get3A_182 = arith.constant 384 : index
      %get3A_183 = arith.constant 0 : index
      %get3A_184 = vector.load %arg6[%get3A_182, %get3A_183] : memref<896x50xf32, #tpu.memory_space<vmem>>, vector<100x50xf32>
      %get3A_185 = arith.constant 0 : index
      %get3A_186 = arith.constant 0 : index
      %get3A_187 = vector.load %arg4[%get3A_185, %get3A_186] : memref<50x100xf32, #tpu.memory_space<vmem>>, vector<50x100xf32>
      %dot_general3A_188 = arith.constant dense<0.000000e+00> : vector<50x50xf32>
      %dot_general3A_189 = tpu.matmul %get3A_187, %get3A_184, %dot_general3A_188 {dimension_numbers = #tpu.dot_dimension_numbers<[1], [0], [0], [1], [0, 0, 1, 1], [], []>, transpose_lhs_hint = false} : vector<50x100xf32>, vector<100x50xf32>, vector<50x50xf32> -> vector<50x50xf32>
      %swap3A_190 = arith.constant 150 : index
      %swap3A_191 = arith.constant 0 : index
      %swap3A_192 = vector.load %arg9[%swap3A_190, %swap3A_191] : memref<700x50xf32, #tpu.memory_space<vmem>>, vector<50x50xf32>
      tpu.vector_store %arg9[%swap3A_190, %swap3A_191], %dot_general3A_189 {strides = array<i32>} : memref<700x50xf32, #tpu.memory_space<vmem>>, vector<50x50xf32>,
      %get3A_193 = arith.constant 0 : index
      %get3A_194 = arith.constant 0 : index
      %get3A_195 = vector.load %arg5[%get3A_193, %get3A_194] : memref<50x100xf32, #tpu.memory_space<vmem>>, vector<50x100xf32>
      %dot_general3A_196 = arith.constant dense<0.000000e+00> : vector<50x50xf32>
      %dot_general3A_197 = tpu.matmul %get3A_195, %get3A_184, %dot_general3A_196 {dimension_numbers = #tpu.dot_dimension_numbers<[1], [0], [0], [1], [0, 0, 1, 1], [], []>, transpose_lhs_hint = false} : vector<50x100xf32>, vector<100x50xf32>, vector<50x50xf32> -> vector<50x50xf32>
      %swap3A_198 = arith.constant 500 : index
      %swap3A_199 = arith.constant 0 : index
      %swap3A_200 = vector.load %arg9[%swap3A_198, %swap3A_199] : memref<700x50xf32, #tpu.memory_space<vmem>>, vector<50x50xf32>
      tpu.vector_store %arg9[%swap3A_198, %swap3A_199], %dot_general3A_197 {strides = array<i32>} : memref<700x50xf32, #tpu.memory_space<vmem>>, vector<50x50xf32>,
      %get3A_201 = arith.constant 512 : index
      %get3A_202 = arith.constant 0 : index
      %get3A_203 = vector.load %arg6[%get3A_201, %get3A_202] : memref<896x50xf32, #tpu.memory_space<vmem>>, vector<100x50xf32>
      %get3A_204 = arith.constant 0 : index
      %get3A_205 = arith.constant 0 : index
      %get3A_206 = vector.load %arg4[%get3A_204, %get3A_205] : memref<50x100xf32, #tpu.memory_space<vmem>>, vector<50x100xf32>
      %dot_general3A_207 = arith.constant dense<0.000000e+00> : vector<50x50xf32>
      %dot_general3A_208 = tpu.matmul %get3A_206, %get3A_203, %dot_general3A_207 {dimension_numbers = #tpu.dot_dimension_numbers<[1], [0], [0], [1], [0, 0, 1, 1], [], []>, transpose_lhs_hint = false} : vector<50x100xf32>, vector<100x50xf32>, vector<50x50xf32> -> vector<50x50xf32>
      %swap3A_209 = arith.constant 200 : index
      %swap3A_210 = arith.constant 0 : index
      %swap3A_211 = vector.load %arg9[%swap3A_209, %swap3A_210] : memref<700x50xf32, #tpu.memory_space<vmem>>, vector<50x50xf32>
      tpu.vector_store %arg9[%swap3A_209, %swap3A_210], %dot_general3A_208 {strides = array<i32>} : memref<700x50xf32, #tpu.memory_space<vmem>>, vector<50x50xf32>,
      %get3A_212 = arith.constant 0 : index
      %get3A_213 = arith.constant 0 : index
      %get3A_214 = vector.load %arg5[%get3A_212, %get3A_213] : memref<50x100xf32, #tpu.memory_space<vmem>>, vector<50x100xf32>
      %dot_general3A_215 = arith.constant dense<0.000000e+00> : vector<50x50xf32>
      %dot_general3A_216 = tpu.matmul %get3A_214, %get3A_203, %dot_general3A_215 {dimension_numbers = #tpu.dot_dimension_numbers<[1], [0], [0], [1], [0, 0, 1, 1], [], []>, transpose_lhs_hint = false} : vector<50x100xf32>, vector<100x50xf32>, vector<50x50xf32> -> vector<50x50xf32>
      %swap3A_217 = arith.constant 550 : index
      %swap3A_218 = arith.constant 0 : index
      %swap3A_219 = vector.load %arg9[%swap3A_217, %swap3A_218] : memref<700x50xf32, #tpu.memory_space<vmem>>, vector<50x50xf32>
      tpu.vector_store %arg9[%swap3A_217, %swap3A_218], %dot_general3A_216 {strides = array<i32>} : memref<700x50xf32, #tpu.memory_space<vmem>>, vector<50x50xf32>,
      %get3A_220 = arith.constant 640 : index
      %get3A_221 = arith.constant 0 : index
      %get3A_222 = vector.load %arg6[%get3A_220, %get3A_221] : memref<896x50xf32, #tpu.memory_space<vmem>>, vector<100x50xf32>
      %get3A_223 = arith.constant 0 : index
      %get3A_224 = arith.constant 0 : index
      %get3A_225 = vector.load %arg4[%get3A_223, %get3A_224] : memref<50x100xf32, #tpu.memory_space<vmem>>, vector<50x100xf32>
      %dot_general3A_226 = arith.constant dense<0.000000e+00> : vector<50x50xf32>
      %dot_general3A_227 = tpu.matmul %get3A_225, %get3A_222, %dot_general3A_226 {dimension_numbers = #tpu.dot_dimension_numbers<[1], [0], [0], [1], [0, 0, 1, 1], [], []>, transpose_lhs_hint = false} : vector<50x100xf32>, vector<100x50xf32>, vector<50x50xf32> -> vector<50x50xf32>
      %swap3A_228 = arith.constant 250 : index
      %swap3A_229 = arith.constant 0 : index
      %swap3A_230 = vector.load %arg9[%swap3A_228, %swap3A_229] : memref<700x50xf32, #tpu.memory_space<vmem>>, vector<50x50xf32>
      tpu.vector_store %arg9[%swap3A_228, %swap3A_229], %dot_general3A_227 {strides = array<i32>} : memref<700x50xf32, #tpu.memory_space<vmem>>, vector<50x50xf32>,
      %get3A_231 = arith.constant 0 : index
      %get3A_232 = arith.constant 0 : index
      %get3A_233 = vector.load %arg5[%get3A_231, %get3A_232] : memref<50x100xf32, #tpu.memory_space<vmem>>, vector<50x100xf32>
      %dot_general3A_234 = arith.constant dense<0.000000e+00> : vector<50x50xf32>
      %dot_general3A_235 = tpu.matmul %get3A_233, %get3A_222, %dot_general3A_234 {dimension_numbers = #tpu.dot_dimension_numbers<[1], [0], [0], [1], [0, 0, 1, 1], [], []>, transpose_lhs_hint = false} : vector<50x100xf32>, vector<100x50xf32>, vector<50x50xf32> -> vector<50x50xf32>
      %swap3A_236 = arith.constant 600 : index
      %swap3A_237 = arith.constant 0 : index
      %swap3A_238 = vector.load %arg9[%swap3A_236, %swap3A_237] : memref<700x50xf32, #tpu.memory_space<vmem>>, vector<50x50xf32>
      tpu.vector_store %arg9[%swap3A_236, %swap3A_237], %dot_general3A_235 {strides = array<i32>} : memref<700x50xf32, #tpu.memory_space<vmem>>, vector<50x50xf32>,
      %get3A_239 = arith.constant 768 : index
      %get3A_240 = arith.constant 0 : index
      %get3A_241 = vector.load %arg6[%get3A_239, %get3A_240] : memref<896x50xf32, #tpu.memory_space<vmem>>, vector<100x50xf32>
      %get3A_242 = arith.constant 0 : index
      %get3A_243 = arith.constant 0 : index
      %get3A_244 = vector.load %arg4[%get3A_242, %get3A_243] : memref<50x100xf32, #tpu.memory_space<vmem>>, vector<50x100xf32>
      %dot_general3A_245 = arith.constant dense<0.000000e+00> : vector<50x50xf32>
      %dot_general3A_246 = tpu.matmul %get3A_244, %get3A_241, %dot_general3A_245 {dimension_numbers = #tpu.dot_dimension_numbers<[1], [0], [0], [1], [0, 0, 1, 1], [], []>, transpose_lhs_hint = false} : vector<50x100xf32>, vector<100x50xf32>, vector<50x50xf32> -> vector<50x50xf32>
      %swap3A_247 = arith.constant 300 : index
      %swap3A_248 = arith.constant 0 : index
      %swap3A_249 = vector.load %arg9[%swap3A_247, %swap3A_248] : memref<700x50xf32, #tpu.memory_space<vmem>>, vector<50x50xf32>
      tpu.vector_store %arg9[%swap3A_247, %swap3A_248], %dot_general3A_246 {strides = array<i32>} : memref<700x50xf32, #tpu.memory_space<vmem>>, vector<50x50xf32>,
      %get3A_250 = arith.constant 0 : index
      %get3A_251 = arith.constant 0 : index
      %get3A_252 = vector.load %arg5[%get3A_250, %get3A_251] : memref<50x100xf32, #tpu.memory_space<vmem>>, vector<50x100xf32>
      %dot_general3A_253 = arith.constant dense<0.000000e+00> : vector<50x50xf32>
      %dot_general3A_254 = tpu.matmul %get3A_252, %get3A_241, %dot_general3A_253 {dimension_numbers = #tpu.dot_dimension_numbers<[1], [0], [0], [1], [0, 0, 1, 1], [], []>, transpose_lhs_hint = false} : vector<50x100xf32>, vector<100x50xf32>, vector<50x50xf32> -> vector<50x50xf32>
      %swap3A_255 = arith.constant 650 : index
      %swap3A_256 = arith.constant 0 : index
      %swap3A_257 = vector.load %arg9[%swap3A_255, %swap3A_256] : memref<700x50xf32, #tpu.memory_space<vmem>>, vector<50x50xf32>
      tpu.vector_store %arg9[%swap3A_255, %swap3A_256], %dot_general3A_254 {strides = array<i32>} : memref<700x50xf32, #tpu.memory_space<vmem>>, vector<50x50xf32>,
    } else {
    }
    %iota3A = tpu.iota {dimensions = array<i32: 1>} : vector<1024x50xi32>
    %get3A = arith.constant 0 : index
    %get3A_2 = arith.constant 0 : index
    %get3A_3 = vector.load %arg2[%get3A, %get3A_2] : memref<1024x7xi32, #tpu.memory_space<vmem>>, vector<1024x1xi32>
    %eq3A_4 = vector.broadcast %get3A_3 : vector<1024x1xi32> to vector<1024x50xi32>
    %eq3A_5 = arith.cmpi eq, %eq3A_4, %iota3A : vector<1024x50xi32>
    %convert_element_type3A_6 = arith.extui %eq3A_5 : vector<1024x50xi1> to vector<1024x50xi32>
    %convert_element_type3A_7 = arith.sitofp %convert_element_type3A_6 : vector<1024x50xi32> to vector<1024x50xf32>
    %get3A_8 = arith.constant 0 : index
    %get3A_9 = arith.constant 1 : index
    %get3A_10 = vector.load %arg2[%get3A_8, %get3A_9] : memref<1024x7xi32, #tpu.memory_space<vmem>>, vector<1024x1xi32>
    %eq3A_11 = vector.broadcast %get3A_10 : vector<1024x1xi32> to vector<1024x50xi32>
    %eq3A_12 = arith.cmpi eq, %eq3A_11, %iota3A : vector<1024x50xi32>
    %convert_element_type3A_13 = arith.extui %eq3A_12 : vector<1024x50xi1> to vector<1024x50xi32>
    %convert_element_type3A_14 = arith.sitofp %convert_element_type3A_13 : vector<1024x50xi32> to vector<1024x50xf32>
    %get3A_15 = arith.constant 0 : index
    %get3A_16 = arith.constant 2 : index
    %get3A_17 = vector.load %arg2[%get3A_15, %get3A_16] : memref<1024x7xi32, #tpu.memory_space<vmem>>, vector<1024x1xi32>
    %eq3A_18 = vector.broadcast %get3A_17 : vector<1024x1xi32> to vector<1024x50xi32>
    %eq3A_19 = arith.cmpi eq, %eq3A_18, %iota3A : vector<1024x50xi32>
    %convert_element_type3A_20 = arith.extui %eq3A_19 : vector<1024x50xi1> to vector<1024x50xi32>
    %convert_element_type3A_21 = arith.sitofp %convert_element_type3A_20 : vector<1024x50xi32> to vector<1024x50xf32>
    %get3A_22 = arith.constant 0 : index
    %get3A_23 = arith.constant 3 : index
    %get3A_24 = vector.load %arg2[%get3A_22, %get3A_23] : memref<1024x7xi32, #tpu.memory_space<vmem>>, vector<1024x1xi32>
    %eq3A_25 = vector.broadcast %get3A_24 : vector<1024x1xi32> to vector<1024x50xi32>
    %eq3A_26 = arith.cmpi eq, %eq3A_25, %iota3A : vector<1024x50xi32>
    %convert_element_type3A_27 = arith.extui %eq3A_26 : vector<1024x50xi1> to vector<1024x50xi32>
    %convert_element_type3A_28 = arith.sitofp %convert_element_type3A_27 : vector<1024x50xi32> to vector<1024x50xf32>
    %get3A_29 = arith.constant 0 : index
    %get3A_30 = arith.constant 4 : index
    %get3A_31 = vector.load %arg2[%get3A_29, %get3A_30] : memref<1024x7xi32, #tpu.memory_space<vmem>>, vector<1024x1xi32>
    %eq3A_32 = vector.broadcast %get3A_31 : vector<1024x1xi32> to vector<1024x50xi32>
    %eq3A_33 = arith.cmpi eq, %eq3A_32, %iota3A : vector<1024x50xi32>
    %convert_element_type3A_34 = arith.extui %eq3A_33 : vector<1024x50xi1> to vector<1024x50xi32>
    %convert_element_type3A_35 = arith.sitofp %convert_element_type3A_34 : vector<1024x50xi32> to vector<1024x50xf32>
    %get3A_36 = arith.constant 0 : index
    %get3A_37 = arith.constant 5 : index
    %get3A_38 = vector.load %arg2[%get3A_36, %get3A_37] : memref<1024x7xi32, #tpu.memory_space<vmem>>, vector<1024x1xi32>
    %eq3A_39 = vector.broadcast %get3A_38 : vector<1024x1xi32> to vector<1024x50xi32>
    %eq3A_40 = arith.cmpi eq, %eq3A_39, %iota3A : vector<1024x50xi32>
    %convert_element_type3A_41 = arith.extui %eq3A_40 : vector<1024x50xi1> to vector<1024x50xi32>
    %convert_element_type3A_42 = arith.sitofp %convert_element_type3A_41 : vector<1024x50xi32> to vector<1024x50xf32>
    %get3A_43 = arith.constant 0 : index
    %get3A_44 = arith.constant 6 : index
    %get3A_45 = vector.load %arg2[%get3A_43, %get3A_44] : memref<1024x7xi32, #tpu.memory_space<vmem>>, vector<1024x1xi32>
    %eq3A_46 = vector.broadcast %get3A_45 : vector<1024x1xi32> to vector<1024x50xi32>
    %eq3A_47 = arith.cmpi eq, %eq3A_46, %iota3A : vector<1024x50xi32>
    %convert_element_type3A_48 = arith.extui %eq3A_47 : vector<1024x50xi1> to vector<1024x50xi32>
    %convert_element_type3A_49 = arith.sitofp %convert_element_type3A_48 : vector<1024x50xi32> to vector<1024x50xf32>
    %get3A_50 = arith.constant 0 : index
    %get3A_51 = arith.constant 0 : index
    %get3A_52 = vector.load %arg3[%get3A_50, %get3A_51] : memref<1024x7xi32, #tpu.memory_space<vmem>>, vector<1024x1xi32>
    %eq3A_53 = vector.broadcast %get3A_52 : vector<1024x1xi32> to vector<1024x50xi32>
    %eq3A_54 = arith.cmpi eq, %eq3A_53, %iota3A : vector<1024x50xi32>
    %convert_element_type3A_55 = arith.extui %eq3A_54 : vector<1024x50xi1> to vector<1024x50xi32>
    %convert_element_type3A_56 = arith.sitofp %convert_element_type3A_55 : vector<1024x50xi32> to vector<1024x50xf32>
    %get3A_57 = arith.constant 0 : index
    %get3A_58 = arith.constant 1 : index
    %get3A_59 = vector.load %arg3[%get3A_57, %get3A_58] : memref<1024x7xi32, #tpu.memory_space<vmem>>, vector<1024x1xi32>
    %eq3A_60 = vector.broadcast %get3A_59 : vector<1024x1xi32> to vector<1024x50xi32>
    %eq3A_61 = arith.cmpi eq, %eq3A_60, %iota3A : vector<1024x50xi32>
    %convert_element_type3A_62 = arith.extui %eq3A_61 : vector<1024x50xi1> to vector<1024x50xi32>
    %convert_element_type3A_63 = arith.sitofp %convert_element_type3A_62 : vector<1024x50xi32> to vector<1024x50xf32>
    %get3A_64 = arith.constant 0 : index
    %get3A_65 = arith.constant 2 : index
    %get3A_66 = vector.load %arg3[%get3A_64, %get3A_65] : memref<1024x7xi32, #tpu.memory_space<vmem>>, vector<1024x1xi32>
    %eq3A_67 = vector.broadcast %get3A_66 : vector<1024x1xi32> to vector<1024x50xi32>
    %eq3A_68 = arith.cmpi eq, %eq3A_67, %iota3A : vector<1024x50xi32>
    %convert_element_type3A_69 = arith.extui %eq3A_68 : vector<1024x50xi1> to vector<1024x50xi32>
    %convert_element_type3A_70 = arith.sitofp %convert_element_type3A_69 : vector<1024x50xi32> to vector<1024x50xf32>
    %get3A_71 = arith.constant 0 : index
    %get3A_72 = arith.constant 3 : index
    %get3A_73 = vector.load %arg3[%get3A_71, %get3A_72] : memref<1024x7xi32, #tpu.memory_space<vmem>>, vector<1024x1xi32>
    %eq3A_74 = vector.broadcast %get3A_73 : vector<1024x1xi32> to vector<1024x50xi32>
    %eq3A_75 = arith.cmpi eq, %eq3A_74, %iota3A : vector<1024x50xi32>
    %convert_element_type3A_76 = arith.extui %eq3A_75 : vector<1024x50xi1> to vector<1024x50xi32>
    %convert_element_type3A_77 = arith.sitofp %convert_element_type3A_76 : vector<1024x50xi32> to vector<1024x50xf32>
    %get3A_78 = arith.constant 0 : index
    %get3A_79 = arith.constant 4 : index
    %get3A_80 = vector.load %arg3[%get3A_78, %get3A_79] : memref<1024x7xi32, #tpu.memory_space<vmem>>, vector<1024x1xi32>
    %eq3A_81 = vector.broadcast %get3A_80 : vector<1024x1xi32> to vector<1024x50xi32>
    %eq3A_82 = arith.cmpi eq, %eq3A_81, %iota3A : vector<1024x50xi32>
    %convert_element_type3A_83 = arith.extui %eq3A_82 : vector<1024x50xi1> to vector<1024x50xi32>
    %convert_element_type3A_84 = arith.sitofp %convert_element_type3A_83 : vector<1024x50xi32> to vector<1024x50xf32>
    %get3A_85 = arith.constant 0 : index
    %get3A_86 = arith.constant 5 : index
    %get3A_87 = vector.load %arg3[%get3A_85, %get3A_86] : memref<1024x7xi32, #tpu.memory_space<vmem>>, vector<1024x1xi32>
    %eq3A_88 = vector.broadcast %get3A_87 : vector<1024x1xi32> to vector<1024x50xi32>
    %eq3A_89 = arith.cmpi eq, %eq3A_88, %iota3A : vector<1024x50xi32>
    %convert_element_type3A_90 = arith.extui %eq3A_89 : vector<1024x50xi1> to vector<1024x50xi32>
    %convert_element_type3A_91 = arith.sitofp %convert_element_type3A_90 : vector<1024x50xi32> to vector<1024x50xf32>
    %get3A_92 = arith.constant 0 : index
    %get3A_93 = arith.constant 6 : index
    %get3A_94 = vector.load %arg3[%get3A_92, %get3A_93] : memref<1024x7xi32, #tpu.memory_space<vmem>>, vector<1024x1xi32>
    %eq3A_95 = vector.broadcast %get3A_94 : vector<1024x1xi32> to vector<1024x50xi32>
    %eq3A_96 = arith.cmpi eq, %eq3A_95, %iota3A : vector<1024x50xi32>
    %convert_element_type3A_97 = arith.extui %eq3A_96 : vector<1024x50xi1> to vector<1024x50xi32>
    %convert_element_type3A_98 = arith.sitofp %convert_element_type3A_97 : vector<1024x50xi32> to vector<1024x50xf32>
    %concatenate3A = tpu.concatenate %convert_element_type3A_7, %convert_element_type3A_14, %convert_element_type3A_21, %convert_element_type3A_28, %convert_element_type3A_35, %convert_element_type3A_42, %convert_element_type3A_49, %convert_element_type3A_56, %convert_element_type3A_63, %convert_element_type3A_70, %convert_element_type3A_77, %convert_element_type3A_84, %convert_element_type3A_91, %convert_element_type3A_98 in 1 : vector<1024x50xf32>, vector<1024x50xf32>, vector<1024x50xf32>, vector<1024x50xf32>, vector<1024x50xf32>, vector<1024x50xf32>, vector<1024x50xf32>, vector<1024x50xf32>, vector<1024x50xf32>, vector<1024x50xf32>, vector<1024x50xf32>, vector<1024x50xf32>, vector<1024x50xf32>, vector<1024x50xf32> -> vector<1024x700xf32>
    %get3A_99 = arith.constant 0 : index
    %get3A_100 = arith.constant 0 : index
    %get3A_101 = vector.load %arg1[%get3A_99, %get3A_100] : memref<1024x896xf32, #tpu.memory_space<vmem>>, vector<1024x896xf32>
    %get3A_102 = arith.constant 0 : index
    %get3A_103 = arith.constant 0 : index
    %get3A_104 = vector.load %arg6[%get3A_102, %get3A_103] : memref<896x50xf32, #tpu.memory_space<vmem>>, vector<896x50xf32>
    %dot_general3A = arith.constant dense<0.000000e+00> : vector<1024x50xf32>
    %dot_general3A_105 = tpu.matmul %get3A_101, %get3A_104, %dot_general3A {dimension_numbers = #tpu.dot_dimension_numbers<[1], [0], [0], [1], [0, 0, 1, 1], [], []>, transpose_lhs_hint = false} : vector<1024x896xf32>, vector<896x50xf32>, vector<1024x50xf32> -> vector<1024x50xf32>
    %get3A_106 = arith.constant 0 : index
    %get3A_107 = arith.constant 0 : index
    %get3A_108 = vector.load %arg9[%get3A_106, %get3A_107] : memref<700x50xf32, #tpu.memory_space<vmem>>, vector<700x50xf32>
    %dot_general3A_109 = arith.constant dense<0.000000e+00> : vector<1024x50xf32>
    %dot_general3A_110 = tpu.matmul %concatenate3A, %get3A_108, %dot_general3A_109 {dimension_numbers = #tpu.dot_dimension_numbers<[1], [0], [0], [1], [0, 0, 1, 1], [], []>, transpose_lhs_hint = false} : vector<1024x700xf32>, vector<700x50xf32>, vector<1024x50xf32> -> vector<1024x50xf32>
    %add3A = arith.addf %dot_general3A_105, %dot_general3A_110 : vector<1024x50xf32>
    %get3A_111 = arith.constant 0 : index
    %get3A_112 = arith.constant 0 : index
    %get3A_113 = vector.load %arg7[%get3A_111, %get3A_112] : memref<1x50xf32, #tpu.memory_space<vmem>>, vector<1x50xf32>
    %get3A_114 = vector.shape_cast %get3A_113 : vector<1x50xf32> to vector<50xf32>
    %broadcast_in_dim3A = vector.shape_cast %get3A_114 : vector<50xf32> to vector<1x50xf32>
    %add3A_115 = vector.broadcast %broadcast_in_dim3A : vector<1x50xf32> to vector<1024x50xf32>
    %add3A_116 = arith.addf %add3A, %add3A_115 : vector<1024x50xf32>
    %reduce_max3A = arith.constant dense<0xFF800000> : vector<1024xf32>
    %reduce_max3A_117 = vector.multi_reduction <maximumf>, %add3A_116, %reduce_max3A [1] : vector<1024x50xf32> to vector<1024xf32>
    %broadcast_in_dim3A_118 = vector.shape_cast %reduce_max3A_117 : vector<1024xf32> to vector<1024x1xf32>
    %sub3A = vector.broadcast %broadcast_in_dim3A_118 : vector<1024x1xf32> to vector<1024x50xf32>
    %sub3A_119 = arith.subf %add3A_116, %sub3A : vector<1024x50xf32>
    %exp3A = math.exp %sub3A_119 : vector<1024x50xf32>
    %reduce_sum3A = arith.constant dense<0.000000e+00> : vector<1024xf32>
    %reduce_sum3A_120 = vector.multi_reduction <add>, %exp3A, %reduce_sum3A [1] : vector<1024x50xf32> to vector<1024xf32>
    %broadcast_in_dim3A_121 = vector.shape_cast %reduce_sum3A_120 : vector<1024xf32> to vector<1024x1xf32>
    %div3A = vector.broadcast %broadcast_in_dim3A_121 : vector<1024x1xf32> to vector<1024x50xf32>
    %div3A_122 = arith.divf %exp3A, %div3A : vector<1024x50xf32>
    %swap3A = arith.constant 0 : index
    %swap3A_123 = arith.constant 0 : index
    %swap3A_124 = vector.load %arg8[%swap3A, %swap3A_123] : memref<1024x50xf32, #tpu.memory_space<vmem>>, vector<1024x50xf32>
    tpu.vector_store %arg8[%swap3A, %swap3A_123], %div3A_122 {strides = array<i32>} : memref<1024x50xf32, #tpu.memory_space<vmem>>, vector<1024x50xf32>,
    return
  }
  func.func @transform_0(%arg0: i32) -> (i32, i32) {
    %c0_i32 = arith.constant 0 : i32
    %c0_i32_0 = arith.constant 0 : i32
    return %arg0, %c0_i32 : i32, i32
  }
  func.func @transform_1(%arg0: i32) -> (i32, i32) {
    %c0_i32 = arith.constant 0 : i32
    %c0_i32_0 = arith.constant 0 : i32
    return %arg0, %c0_i32 : i32, i32
  }
  func.func @transform_2(%arg0: i32) -> (i32, i32) {
    %c0_i32 = arith.constant 0 : i32
    %c0_i32_0 = arith.constant 0 : i32
    return %arg0, %c0_i32 : i32, i32
  }
  func.func @transform_3(%arg0: i32) -> (i32, i32) {
    %c0_i32 = arith.constant 0 : i32
    %c0_i32_0 = arith.constant 0 : i32
    %c0_i32_1 = arith.constant 0 : i32
    return %c0_i32, %c0_i32_0 : i32, i32
  }
  func.func @transform_4(%arg0: i32) -> (i32, i32) {
    %c0_i32 = arith.constant 0 : i32
    %c0_i32_0 = arith.constant 0 : i32
    %c0_i32_1 = arith.constant 0 : i32
    return %c0_i32, %c0_i32_0 : i32, i32
  }
  func.func @transform_5(%arg0: i32) -> (i32, i32) {
    %c0_i32 = arith.constant 0 : i32
    %c0_i32_0 = arith.constant 0 : i32
    %c0_i32_1 = arith.constant 0 : i32
    return %c0_i32, %c0_i32_0 : i32, i32
  }
  func.func @transform_6(%arg0: i32) -> (i32, i32) {
    %c0_i32 = arith.constant 0 : i32
    %c0_i32_0 = arith.constant 0 : i32
    %c0_i32_1 = arith.constant 0 : i32
    return %c0_i32, %c0_i32_0 : i32, i32
  }
  func.func @transform_7(%arg0: i32) -> (i32, i32) {
    %c0_i32 = arith.constant 0 : i32
    %c0_i32_0 = arith.constant 0 : i32
    return %arg0, %c0_i32 : i32, i32
  }
}

</mosaic_0001>

<sc_bundles>
// kernel: kernel.5.cloned.1.call-start
scs
__scs_entry_jumppad:
0x0: {  	(pc) =	sbr.rel $0x88, $3  }
0x1: {  	(tag) =	ssettag $0x0;
	lr =	simm.s32 $0x1  }
0x2: {  	[smem:$0x3F99] =	sst lr;
	_ =	strace $0xD0000000  }
0x3: {  	_ = 	snop  }
0x4: {  	_ = 	snop  }
0x5: {  	_ = 	snop  }
0x6: {  	_ = 	snop  }
0x7: {  	_ = 	snop  }
__scs_overlays_trampoline_lowered:
0x8: {  	[smem:$0x3FA8] =	sst s0  }
0x9: {  	[smem:$0x3FA9] =	sst s1  }
0xa: {  	[smem:$0x3FAA] =	sst s2  }
0xb: {  	[smem:$0x3FAB] =	sst s3  }
0xc: {  	[smem:$0x3FAC] =	sst s4  }
0xd: {  	[smem:$0x3FAD] =	sst s5  }
0xe: {  	[smem:$0x3FAE] =	sst s6  }
0xf: {  	[smem:$0x3FAF] =	sst s7  }
0x10: {  	[smem:$0x3FB0] =	sst s8  }
0x11: {  	[smem:$0x3FB1] =	sst s9;
	s0 =	simm.s32 @!p0 $0x0  }
0x12: {  	s1 =	sld [smem:$0x3F97];
	s0 =	simm.s32 @p0 $0x1  }
0x13: {  	[smem:$0x3FB2] =	sst s0;
	s0 =	simm.s32 @!p1 $0x0  }
0x14: {  	s2 =	sld [smem:$0x3F96];
	s0 =	simm.s32 @p1 $0x1  }
0x15: {  	[smem:$0x3FB3] =	sst s0;
	s0 =	simm.s32 @!p2 $0x0  }
0x16: {  	s3 =	sld [smem:$0x3FDB];
	s0 =	simm.s32 @p2 $0x1  }
0x17: {  	s4 =	simm.s32 $0x1BF5;
	[smem:$0x3FB5] =	sst s0  }
0x18: {  	s0 =	sld [smem:$0x3F98];
	_ =	swait.ge [sflag:s4], $0x0  }
0x19: {  	s7 =	sld [smem:$0x3F99]  }
0x1a: {  	s8 =	sadd.s32 $0xFFFFE003, lr  }
0x1b: {  	s9 =	sadd.s32 $0xFFFFFEF7, lr;
	s5 =	simm.s32 $0xFFFFFFFF;
	p2 =	slt.u32 s8, $0xFFFFF086  }
0x1c: {  	p1 =	slt.u32 s9, $0xF7A;
	s5 =	simm.s32 @!p2 $0x0  }
0x1d: {  	s5 =	simm.s32 @p1 $0x1;
	p0 =	seq.s32 s7, s2  }
0x1e: {  	s7 =	smul.u32 @!p0 $0xF7A, s2;
	p2 =	seq.s32 @!p0 s5, $0x0  }
0x1f: {  	s9 =	smul.u32 $0xF7A, s1;
	s8 =	simm.s32 @!p0 $0x1BF5;
	p2 =	por !p2, p0  }
0x20: {  	[sflag:s8] =	ssyncset.s32 @!p0 $0xFFFFF086;
	s6 =	sadd.s32 @!p0 s3, s7;
	s7 =	simm.s32 @!p0 $0x108  }
0x21: {  	s3 =	sadd.s32 s3, s9;
	s6 =	sadd.s32 @!p0 $0x88, s6;
	s7 =	simm.s32 @p2 $0x1082  }
0x22: {  	[simem:s7], [sflag:s8] =	dma.local @!p0 [hbm:s6], $0xF7A  }
0x23: {  	s9 =	sor.u32 $0xD0000000, s2;
	s6 =	simm.s32 $0x108;
	_ =	swait.ge @!p0 [sflag:s8], $0x0  }
0x24: {  	s3 =	sadd.s32 $0x88, s3;
	s6 =	simm.s32 @!p1 $0x1082;
	[sflag:s4] =	ssyncset.s32 $0xFFFFF086  }
0x25: {  	[simem:s6], [sflag:s4] =	dma.local [hbm:s3], $0xF7A  }
0x26: {  	[smem:$0x3F99] =	sst s1;
	(tag) =	ssettag s2;
	_ =	strace s9  }
0x27: {  	s1 =	sld [smem:$0x3FA9]  }
0x28: {  	s2 =	sld [smem:$0x3FAA]  }
0x29: {  	s4 =	sld [smem:$0x3FAC]  }
0x2a: {  	p0 =	seq.s32 s5, $0x0;
	s5 =	sld [smem:$0x3FAD]  }
0x2b: {  	s6 =	sld [smem:$0x3FAE]  }
0x2c: {  	s7 =	sld [smem:$0x3FAF]  }
0x2d: {  	s3 =	simm.s32 $0x108;
	s8 =	sld [smem:$0x3FB0]  }
0x2e: {  	s3 =	simm.s32 @!p0 $0x1082;
	s9 =	sld [smem:$0x3FB1]  }
0x2f: {  	lr =	sadd.s32 s0, s3;
	s0 =	sld [smem:$0x3FA8]  }
0x30: {  	s3 =	sld [smem:$0x3FAB]  }
0x31: {  	[smem:$0x3FB4] =	sst s10  }
0x32: {  	s10 =	sld [smem:$0x3FB2];
	_ =	sdelay $0x3  }
0x33: {  	p0 =	seq.s32 s10, $0x1;
	s10 =	sld [smem:$0x3FB4];
	_ =	sdelay $0x3  }
0x34: {  	[smem:$0x3FB4] =	sst s10  }
0x35: {  	s10 =	sld [smem:$0x3FB3];
	_ =	sdelay $0x3  }
0x36: {  	p1 =	seq.s32 s10, $0x1;
	s10 =	sld [smem:$0x3FB4];
	_ =	sdelay $0x3  }
0x37: {  	[smem:$0x3FB4] =	sst s10  }
0x38: {  	s10 =	sld [smem:$0x3FB5]  }
0x39: {  	_ = 	snop;
	(pc) =	sbr.ind lr, $3  }
0x3a: {  	_ = 	snop  }
0x3b: {  	_ = 	snop  }
0x3c: {  	p2 =	seq.s32 s10, $0x1;
	s10 =	sld [smem:$0x3FB4]  }
0x3d: {  	_ =	shalt  }
0x3e: {  	_ =	shalt  }
0x3f: {  	_ =	shalt  }
0x40: {  	_ =	shalt  }
0x41: {  	_ =	shalt  }
0x42: {  	_ =	shalt  }
0x43: {  	_ =	shalt  }
0x44: {  	_ =	shalt  }
0x45: {  	_ =	shalt  }
0x46: {  	_ =	shalt  }
0x47: {  	_ =	shalt  }
0x48: {  	_ =	shalt  }
0x49: {  	_ =	shalt  }
0x4a: {  	_ =	shalt  }
0x4b: {  	_ =	shalt  }
0x4c: {  	_ =	shalt  }
0x4d: {  	_ =	shalt  }
0x4e: {  	_ =	shalt  }
0x4f: {  	_ =	shalt  }
0x50: {  	_ =	shalt  }
0x51: {  	_ =	shalt  }
0x52: {  	_ =	shalt  }
0x53: {  	_ =	shalt  }
0x54: {  	_ =	shalt  }
0x55: {  	_ =	shalt  }
0x56: {  	_ =	shalt  }
0x57: {  	_ =	shalt  }
0x58: {  	_ =	shalt  }
0x59: {  	_ =	shalt  }
0x5a: {  	_ =	shalt  }
0x5b: {  	_ =	shalt  }
0x5c: {  	_ =	shalt  }
0x5d: {  	_ =	shalt  }
0x5e: {  	_ =	shalt  }
0x5f: {  	_ =	shalt  }
0x60: {  	_ =	shalt  }
0x61: {  	_ =	shalt  }
0x62: {  	_ =	shalt  }
0x63: {  	_ =	shalt  }
0x64: {  	_ =	shalt  }
0x65: {  	_ =	shalt  }
0x66: {  	_ =	shalt  }
0x67: {  	_ =	shalt  }
0x68: {  	_ =	shalt  }
0x69: {  	_ =	shalt  }
0x6a: {  	_ =	shalt  }
0x6b: {  	_ =	shalt  }
0x6c: {  	_ =	shalt  }
0x6d: {  	_ =	shalt  }
0x6e: {  	_ =	shalt  }
0x6f: {  	_ =	shalt  }
0x70: {  	_ =	shalt  }
0x71: {  	_ =	shalt  }
0x72: {  	_ =	shalt  }
0x73: {  	_ =	shalt  }
0x74: {  	_ =	shalt  }
0x75: {  	_ =	shalt  }
0x76: {  	_ =	shalt  }
0x77: {  	_ =	shalt  }
0x78: {  	_ =	shalt  }
0x79: {  	_ =	shalt  }
0x7a: {  	_ =	shalt  }
0x7b: {  	_ =	shalt  }
0x7c: {  	_ =	shalt  }
0x7d: {  	_ =	shalt  }
0x7e: {  	_ =	shalt  }
0x7f: {  	_ =	shalt  }
0x80: {  	_ =	shalt  }
0x81: {  	_ =	shalt  }
0x82: {  	_ =	shalt  }
0x83: {  	_ =	shalt  }
0x84: {  	_ =	shalt  }
0x85: {  	_ =	shalt  }
0x86: {  	_ =	shalt  }
0x87: {  	_ =	shalt  }
.Lfunc_end0:
.L_simem_size_0:
called_computation_lowered:
.L_overlay_start_0:
0x88: {  	s2 =	sld [smem:$0x3FD9]  }
0x89: {  	s3 =	sld [smem:$0x3FFE];
	_ =	sdelay $0x1  }
0x8a: {  	s1 =	srdreg.scid  }
0x8b: {  	s0 =	sand.u32 $0x1, s1  }
0x8c: {  	s17 =	sshll.u32 s0, $0xA;
	s2 =	sadd.s32 s3, s2  }
0x8d: {  	s2 =	sadd.s32 s2, s17  }
0x8e: {  	[smem:$0x3FC0] =	sst s2  }
0x8f: {  	_ = 	snop  }
0x90: {  	s2 =	sld [smem:$0x3FD0];
	(tm) =	ssettm $0x1  }
0x91: {  	s18 =	sld [smem:$0x3FFB];
	_ =	sdelay $0x3  }
0x92: {  	_ =	strace s18  }
0x93: {  	s3 =	sld [smem:$0x3FFC];
	_ =	sdelay $0x3  }
0x94: {  	_ =	strace s3  }
0x95: {  	s3 =	sld [smem:$0x3FFD];
	_ =	sdelay $0x3  }
0x96: {  	_ =	strace s3  }
0x97: {  	_ =	strace $0x8FFFFFFF  }
0x98: {  	s19 =	sld [smem:$0x3FDB];
	_ =	sdelay $0x1  }
0x99: {  	s4 =	simm.s32 $_scs_section_size  }
0x9a: {  	s5 =	simm.s32 $_size__tile_overlayer_lowered;
	s6 =	simm.s32 $_tile_overlayer_lowered  }
0x9b: {  	s22 =	simm.s32 $0x1BFF;
	s21 =	sshll.u32 s6, $0x1;
	s3 =	sadd.s32 s4, s19  }
0x9c: {  	s7 =	simm.s32 $0x0;
	s20 =	sshll.u32 s5, $0x1;
	s5 =	sadd.s32 s21, s3  }
0x9d: {  	[timem:s7], [sflag:s22] =	dma.local [hbm:s5], s20  }
0x9e: {  	_ =	swait.ge [sflag:s22], s20  }
0x9f: {  	s4 =	ssub.s32 $0x0, s20;
	[sflag:s22] =	ssyncset.done $0x0  }
0xa0: {  	[sflag:s22] =	ssyncadd.s32 s4;
	_ =	sdelay $0x1  }
0xa1: {  	s23 =	simm.s32 $0x1B8B  }
0xa2: {  	_ =	swait.ge [sflag:s23], $0x1  }
0xa3: {  	[sflag:s23] =	ssyncset.done $0x0  }
0xa4: {  	s25 =	simm.s32 $0x1B8E;
	s24 =	sld [smem:$0x3FFE];
	[sflag:s23] =	ssyncadd.s32 $0xFFFFFFFF  }
0xa5: {  	s26 =	simm.s32 $execute0_lowered;
	[smem:$0x3FD2] =	sst s25  }
0xa6: {  	s5 =	sshll.u32 s26, $0x1;
	_ =	strace $0x80000046;
	[dreg:$0x1] =	wrdreg $0xFFFFFFFF  }
0xa7: {  	s28 =	simm.s32 $_size_execute0_lowered;
	s3 =	sadd.s32 s3, s5;
	[dreg:$0x0] =	wrdreg $0x0  }
0xa8: {  	s5 =	sshll.u32 s28, $0x1;
	[dreg:$0x2] =	wrdreg s3  }
0xa9: {  	[dreg:$0x3] =	wrdreg s5  }
0xaa: {  	[dreg:$0x4] =	wrdreg $0xC0  }
0xab: {  	_ =	task [dreg:s7], $0x5FFFF  }
0xac: {  	[dreg:$0x1] =	wrdreg $0xFFFFFFFF  }
0xad: {  	[dreg:$0x0] =	wrdreg $0x60  }
0xae: {  	[dreg:$0x2] =	wrdreg s2  }
0xaf: {  	[dreg:$0x3] =	wrdreg s24  }
0xb0: {  	[dreg:$0x4] =	wrdreg $0x9  }
0xb1: {  	_ =	task.clear_ibuf [dreg:s7], $0x5FFFF;
	_ =	strace $0x90000046  }
0xb2: {  	s29 =	simm.s32 $0x9;
	_ =	strace $0x80000048  }
0xb3: {  	_ =	swait.ge [sflag:s29], $0x1  }
0xb4: {  	[sflag:s29] =	ssyncadd.s32 $0xFFFFFFFF  }
0xb5: {  	_ =	strace $0x90000048  }
0xb6: {  	_ =	sfence  }
0xb7: {  	s30 =	sld [smem:$0x0];
	_ =	sdelay $0x2  }
0xb8: {  	s31 =	sshll.u32 s1, $0xD;
	s1 =	sshrl.u32 s1, $0x2  }
0xb9: {  	s3 =	sand.u32 $0x4000, s31;
	s1 =	sadd.s32 s1, s30  }
0xba: {  	s0 =	sor.u32 s3, s0;
	s1 =	sshll.u32 s1, $0x11  }
0xbb: {  	s0 =	sor.u32 s1, s0  }
0xbc: {  	s0 =	sadd.s32 $0x8F2B, s0  }
0xbd: {  	[sflag:s0] =	ssyncadd.remote.s32 $0x1  }
0xbe: {  	_ =	sfence.sel $0xFFFF  }
0xbf: {  	[dreg:$0x0] =	wrdreg $0xFFFFFFFF;
	(pc) =	sbr.abs _section_cstart, $3  }
0xc0: {  	[dreg:$0x1] =	wrdreg $0xFFFFFFFF  }
0xc1: {  	_ =	task.clear_ibuf [dreg:s7], $0x2FFFF;
	_ =	strace $0x9FFFFFFF  }
0xc2: {  	(tm) =	ssettm $0x7FFFFFFF  }
0xc3: {  	_ =	shalt  }
tec
execute0_lowered:
.L_overlay_start_1:
0x0: {  	(tag) =	ssettag $0x1  }
0x1: {  	s1 =	srdreg.scid  }
0x2: {  	s0 =	stileid.u32;
	s4 =	rddreg [dreg:$0x0]  }
0x3: {  	s5 =	rddreg [dreg:$0x1];
	s2 =	simm.s32 $0x0;
	s14 =	simm.s32 $0xE00  }
0x4: {  	s15 =	simm.s32 $0x1;
	s16 =	simm.s32 $0x4E00;
	s17 =	simm.s32 $0x3  }
0x5: {  	s18 =	simm.s32 $0x100;
	s19 =	simm.s32 $0x2;
	s20 =	simm.s32 $0x4  }
0x6: {  	s21 =	simm.s32 $0xD80;
	s22 =	simm.s32 $0x0;
	s10 =	smul.u32 $0xE0000, s0  }
0x7: {  	s6 =	sand.u32 $0x1, s1;
	s1 =	rddreg [dreg:$0x2];
	s29 =	smul.u32 $0x1C00, s0  }
0x8: {  	s26 =	sshll.u32 s0, $0x1;
	[smem:$0x7FF] =	sst s2;
	s13 =	smul.u32 $0x70000, s6  }
0x9: {  	s3 =	sadd.s32 $0x1000, s5;
	s7 =	sor.u32 s6, s26;
	s30 =	smul.u32 $0xE00, s6  }
0xa: {  	s11 =	sadd.s32 $0xF43400, s5;
	s28 =	ssub.s32 $0x2, s6;
	s8 =	smul.u32 $0xE00, s7  }
0xb: {  	_ =	strace $0x80000047;
	s9 =	smul.u32 $0x70000, s7;
	s12 =	sshrl.u32 s28, $0x1  }
0xc: {  	s7 =	smul.u32 $0xE000, s7;
	s5 =	ssub.s32 s28, s12;
	s10 =	sadd.s32 s13, s10  }
0xd: {  	s12 =	sadd.s32 s30, s29;
	s13 =	simm.s32 $0x80;
	s8 =	sshrl.u32 s8, $0x3  }
0xe: {  	s5 =	smax.u32 s5, $0x1;
	s9 =	sshrl.u32 s9, $0x3;
	s31 =	sadd.s32 s11, s7  }
0xf: {  	s10 =	sor.u32 $0x8000, s10;
	s12 =	sshll.u32 s12, $0x4;
	s4 =	sadd.s32 s4, s8  }
0x10: {  	s6 =	sadd.s32 s11, s9;
	s7 =	sadd.s32 $0x800, s31;
	s10 =	sshrl.u32 s10, $0x3  }
0x11: {  	s9 =	sadd.s32 $0xD800, s31;
	s10 =	sadd.s32 s10, s11;
	s11 =	sadd.s32 s12, s11  }
0x12: {  	s8 =	sadd.s32 $0xD000, s6;
	s12 =	simm.s32 $0x5;
	s11 =	sadd.s32 $0x1800, s11  }
.LBB2_1:
0x13: {  	[tilespmem:s2], [sflag:$0x5] =	stream.linear.gather [hbm4b:s4+s2], $0xE00, $0x38;
	[tilespmem:$0x8E00] =	vst v63  }
0x14: {  	_ =	swait.ge [sflag:s12], $0xE00  }
0x15: {  	[sflag:s12] =	ssyncset.done $0x0  }
0x16: {  	[sflag:s12] =	ssyncadd.s32 $0xFFFFF200  }
0x17: {  	[tilespmem:s14], [sflag:$0x1] =	stream.indirect.gather [hbm4b:s3+s13], $0x80, s2, s13, $0xb8;
	[tilespmem:$0x8E00] =	vst v63  }
0x18: {  	_ =	swait.ge [sflag:s15], $0x4000  }
0x19: {  	[sflag:s15] =	ssyncset.done $0x0  }
0x1a: {  	[sflag:s15] =	ssyncadd.s32 $0xFFFFC000  }
0x1b: {  	[hbm4b:s6+s2] =	stream.linear.scatter [tilespmem:s14], [sflag:$0x3], $0x4000, $0x38;
	[tilespmem:$0x8E00] =	vst v63  }
0x1c: {  	_ = 	snop  }
0x1d: {  	[tilespmem:s16], [sflag:$0x2] =	stream.indirect.gather [hbm4b:s3+s13], $0x80, s13, s13, $0xb8;
	[tilespmem:$0x8E00] =	vst v63  }
0x1e: {  	_ =	swait.ge [sflag:s17], $0x4000  }
0x1f: {  	[sflag:s17] =	ssyncset.done $0x0  }
0x20: {  	[sflag:s17] =	ssyncadd.s32 $0xFFFFC000  }
0x21: {  	[tilespmem:s14], [sflag:$0x1] =	stream.indirect.gather [hbm4b:s3+s13], $0x80, s18, s13, $0xb8;
	[tilespmem:$0x8E00] =	vst v63  }
0x22: {  	_ =	swait.ge [sflag:s19], $0x4000  }
0x23: {  	[sflag:s19] =	ssyncset.done $0x0  }
0x24: {  	[sflag:s19] =	ssyncadd.s32 $0xFFFFC000  }
0x25: {  	[hbm4b:s7+s2] =	stream.linear.scatter [tilespmem:s16], [sflag:$0x4], $0x4000, $0x38;
	[tilespmem:$0x8E00] =	vst v63  }
0x26: {  	_ =	swait.ge [sflag:s15], $0x4000  }
0x27: {  	[sflag:s15] =	ssyncset.done $0x0  }
0x28: {  	s23 =	sadd.s32 $0x0, s10;
	[sflag:s15] =	ssyncadd.s32 $0xFFFFC000  }
0x29: {  	[hbm4b:s23+s2] =	stream.linear.scatter [tilespmem:s14], [sflag:$0x3], $0x4000, $0x38;
	[tilespmem:$0x8E00] =	vst v63  }
0x2a: {  	_ =	swait.ge [sflag:s20], $0x4000  }
0x2b: {  	[sflag:s20] =	ssyncset.done $0x0  }
0x2c: {  	s30 =	simm.s32 $0x180;
	[sflag:s20] =	ssyncadd.s32 $0xFFFFC000  }
0x2d: {  	[tilespmem:s16], [sflag:$0x2] =	stream.indirect.gather [hbm4b:s3+s13], $0x80, s30, s13, $0xb8;
	[tilespmem:$0x8E00] =	vst v63  }
0x2e: {  	_ =	swait.ge [sflag:s17], $0x4000  }
0x2f: {  	[sflag:s17] =	ssyncset.done $0x0  }
0x30: {  	s31 =	simm.s32 $0x200;
	[sflag:s17] =	ssyncadd.s32 $0xFFFFC000  }
0x31: {  	[tilespmem:s14], [sflag:$0x1] =	stream.indirect.gather [hbm4b:s3+s13], $0x80, s31, s13, $0xb8;
	[tilespmem:$0x8E00] =	vst v63  }
0x32: {  	_ =	swait.ge [sflag:s19], $0x4000  }
0x33: {  	s25 =	sadd.s32 $0x0, s11;
	[sflag:s19] =	ssyncset.done $0x0  }
0x34: {  	s24 =	simm.s32 $0x280;
	s23 =	simm.s32 $0x1000;
	[sflag:s19] =	ssyncadd.s32 $0xFFFFC000  }
.LBB2_2:
0x35: {  	[hbm4b:s25+s2] =	stream.linear.scatter [tilespmem:s16], [sflag:$0x4], $0x4000, $0x38;
	[tilespmem:$0x8E00] =	vst v63  }
0x36: {  	s25 =	smov.u32 s23  }
0x37: {  	p0 =	sne.s32 s23, $0xB000;
	s23 =	sadd.s32 $0x1000, s23;
	_ =	swait.ge [sflag:s15], $0x4000  }
0x38: {  	[sflag:s15] =	ssyncset.done $0x0  }
0x39: {  	s26 =	sadd.s32 s25, s10;
	[sflag:s15] =	ssyncadd.s32 $0xFFFFC000  }
0x3a: {  	[hbm4b:s26+s2] =	stream.linear.scatter [tilespmem:s14], [sflag:$0x3], $0x4000, $0x38;
	[tilespmem:$0x8E00] =	vst v63  }
0x3b: {  	_ =	swait.ge [sflag:s20], $0x4000  }
0x3c: {  	[sflag:s20] =	ssyncset.done $0x0  }
0x3d: {  	[sflag:s20] =	ssyncadd.s32 $0xFFFFC000  }
0x3e: {  	[tilespmem:s16], [sflag:$0x2] =	stream.indirect.gather [hbm4b:s3+s13], $0x80, s24, s13, $0xb8;
	[tilespmem:$0x8E00] =	vst v63  }
0x3f: {  	_ =	swait.ge [sflag:s17], $0x4000  }
0x40: {  	[sflag:s17] =	ssyncset.done $0x0  }
.Ltmp0:
0x41: {  	s26 =	sadd.s32 $0x80, s24;
	[sflag:s17] =	ssyncadd.s32 $0xFFFFC000;
	(pc) =	sbr.rel @p0 .LBB2_2-.Ltmp0, $4  }
0x42: {  	[tilespmem:s14], [sflag:$0x1] =	stream.indirect.gather [hbm4b:s3+s13], $0x80, s26, s13, $0xb8;
	[tilespmem:$0x8E00] =	vst v63  }
0x43: {  	_ =	swait.ge [sflag:s19], $0x4000  }
0x44: {  	[sflag:s19] =	ssyncset.done $0x0  }
0x45: {  	s25 =	sadd.s32 s25, s11;
	s24 =	sadd.s32 $0x100, s24;
	[sflag:s19] =	ssyncadd.s32 $0xFFFFC000  }
0x46: {  	[hbm4b:s25+s2] =	stream.linear.scatter [tilespmem:s16], [sflag:$0x4], $0x4000, $0x38;
	[tilespmem:$0x8E00] =	vst v63  }
0x47: {  	_ =	swait.ge [sflag:s15], $0x4000  }
0x48: {  	[sflag:s15] =	ssyncset.done $0x0  }
0x49: {  	[sflag:s15] =	ssyncadd.s32 $0xFFFFC000  }
0x4a: {  	[hbm4b:s8+s2] =	stream.linear.scatter [tilespmem:s14], [sflag:$0x3], $0x4000, $0x38;
	[tilespmem:$0x8E00] =	vst v63  }
0x4b: {  	_ =	swait.ge [sflag:s20], $0x4000  }
0x4c: {  	[sflag:s20] =	ssyncset.done $0x0  }
0x4d: {  	[sflag:s20] =	ssyncadd.s32 $0xFFFFC000  }
0x4e: {  	[tilespmem:s16], [sflag:$0x2] =	stream.indirect.gather [hbm4b:s3+s13], $0x80, s21, s13, $0xb8;
	[tilespmem:$0x8E00] =	vst v63  }
0x4f: {  	_ =	swait.ge [sflag:s17], $0x4000  }
0x50: {  	[sflag:s17] =	ssyncset.done $0x0  }
0x51: {  	[sflag:s17] =	ssyncadd.s32 $0xFFFFC000  }
0x52: {  	s22 =	sadd.s32 $0x1, s22;
	_ =	swait.ge [sflag:s19], $0x4000  }
0x53: {  	p0 =	sne.s32 s22, s5;
	[sflag:s19] =	ssyncset.done $0x0  }
.Ltmp1:
0x54: {  	[sflag:s19] =	ssyncadd.s32 $0xFFFFC000;
	(pc) =	sbr.rel @p0 .LBB2_1-.Ltmp1, $4  }
0x55: {  	[hbm4b:s9+s2] =	stream.linear.scatter [tilespmem:s16], [sflag:$0x4], $0x4000, $0x38;
	[tilespmem:$0x8E00] =	vst v63  }
0x56: {  	_ =	swait.ge [sflag:s20], $0x4000  }
0x57: {  	[sflag:s20] =	ssyncset.done $0x0  }
0x58: {  	[sflag:s20] =	ssyncadd.s32 $0xFFFFC000  }
0x59: {  	_ =	sfence.sel $0x180000  }
0x5a: {  	[bflag:$0x0] =	sbarrier.arrive $0xFFFF  }
0x5b: {  	p0 =	sne.s32 s0, $0x0;
	_ =	strace $0x90000047  }
0x5c: {  	s0 =	sadd.s32 @!p0 $0x100000, s1;
	[bflag:$0x2] =	sbarrier.arrive $0xFFFF  }
0x5d: {  	[sflag:s0] =	ssyncadd.tile.s32 @!p0 $0x1;
	_ =	shalt  }
.Lfunc_end2:
_tile_overlayer_lowered:
.L_overlay_start_2:
0x5e: {  	(tag) =	ssettag $0x2  }
0x5f: {  	s0 =	rddreg [dreg:$0x0];
	s2 =	stileid.u32  }
0x60: {  	s1 =	rddreg [dreg:$0x1];
	p0 =	sne.s32 s2, $0x0  }
0x61: {  	s3 =	rddreg [dreg:$0x2];
	[bflag:$0x3] =	sbarrier.arrive $0xFFFF;
	s2 =	simm.s32 @!p0 $0x1C05  }
0x62: {  	[timem:s3], [sflag:s2] =	dma.local @!p0 [hbm:s0], s1  }
0x63: {  	s0 =	simm.s32 @!p0 $0x5  }
0x64: {  	_ =	swait.ge @!p0 [sflag:s0], s1  }
0x65: {  	s1 =	ssub.s32 @!p0 $0x0, s1;
	[sflag:s0] =	ssyncset.done @!p0 $0x0  }
0x66: {  	[sflag:s0] =	ssyncadd.s32 @!p0 s1  }
0x67: {  	[bflag:$0x3] =	sbarrier.arrive $0xFFFF  }
0x68: {  	_ =	shalt  }

</sc_bundles>
